<compile_context>
chip_gen: v7x
topology: tpu7x:2x2x1
jax: 0.10.2.dev20260603
libtpu: 0.0.44.dev20260713+nightly
codegen_flags: <defaults>
</compile_context>

<pallas_src>
import functools

import jax
import jax.numpy as jnp
from jax import lax
from jax.experimental import pallas as pl
from jax.experimental.pallas import tpu as pltpu
from jax.experimental.pallas import tpu_sc as plsc

DIM = 128
HEADS = 4
HEAD_DIM = DIM // HEADS
N_NODES = 10000
N_EDGES = 320000

NPAD = 10240
PADROW = N_NODES
ETOT = N_EDGES + N_NODES
NC, NS, NLANE = 2, 16, 16
NW = NC * NS
EPW = 10320
EPAD = EPW * NW
CH1 = 1032
CH2 = 120
RPS = NPAD // NS

_mesh = plsc.VectorSubcoreMesh(
    core_axis_name="c", subcore_axis_name="s", num_cores=NC, num_subcores=NS)
_sc_params = pltpu.CompilerParams(needs_layout_passes=False)


def _pre_body(x_ref, w_ref, as_ref, ad_ref, h_ref, asrc_ref, adst_ref, c_ref):
    h = jnp.dot(x_ref[...], w_ref[...], preferred_element_type=jnp.float32)
    h_ref[...] = h
    a_s = jnp.dot(h, as_ref[...], preferred_element_type=jnp.float32)
    a_d = jnp.dot(h, ad_ref[...], preferred_element_type=jnp.float32)
    asrc_ref[...] = a_s
    adst_ref[...] = a_d
    cm = (jnp.max(a_s, axis=0, keepdims=True)
          + jnp.max(a_d, axis=0, keepdims=True))
    c_ref[...] = jnp.where(cm >= 0.0, cm, 0.2 * cm)


def _stage1(xpad, w_gat, as_mat, ad_mat):
    return pl.pallas_call(
        _pre_body,
        out_shape=[
            jax.ShapeDtypeStruct((NPAD, DIM), jnp.float32),
            jax.ShapeDtypeStruct((NPAD, HEADS), jnp.float32),
            jax.ShapeDtypeStruct((NPAD, HEADS), jnp.float32),
            jax.ShapeDtypeStruct((1, HEADS), jnp.float32),
        ],
    )(xpad, w_gat, as_mat, ad_mat)


def _sc_pass1(src_ref, dst_ref, asrc_hbm, adst_hbm, cvec_hbm, zden_hbm,
              ex_hbm, den_hbm,
              tab_s, tab_d, si_v, di_v, ex_v, fidx_v, c_v, den_sh):
    cid = lax.axis_index("c")
    sid = lax.axis_index("s")
    wid = sid * NC + cid
    base = wid * EPW

    pltpu.sync_copy(asrc_hbm, tab_s)
    pltpu.sync_copy(adst_hbm, tab_d)
    pltpu.sync_copy(cvec_hbm, c_v)
    pltpu.sync_copy(zden_hbm.at[pl.ds(sid * RPS * HEADS, RPS * HEADS)],
                    den_sh.at[pl.ds(sid * RPS * HEADS, RPS * HEADS)])
    plsc.subcore_barrier()

    cvec = c_v[...]
    iota = lax.iota(jnp.int32, NLANE)
    pat4 = iota // HEADS
    lane4 = iota % HEADS

    def chunk_body(k, carry):
        off = base + k * CH1
        pltpu.sync_copy(src_ref.at[pl.ds(off, CH1)], si_v)
        pltpu.sync_copy(dst_ref.at[pl.ds(off, CH1)], di_v)

        def grp(g, c2):
            rows = pat4 + g * HEADS
            s_rep = plsc.load_gather(si_v, [rows])
            d_rep = plsc.load_gather(di_v, [rows])
            e = (plsc.load_gather(tab_s, [s_rep * HEADS + lane4])
                 + plsc.load_gather(tab_d, [d_rep * HEADS + lane4]))
            e = jnp.maximum(e, 0.0) + 0.2 * jnp.minimum(e, 0.0)
            ex = jnp.exp(e - cvec)
            sl = pl.ds(g * NLANE, NLANE)
            ex_v[sl] = ex
            fidx_v[sl] = d_rep * HEADS + lane4
            return c2

        lax.fori_loop(0, CH1 // HEADS, grp, 0)
        pltpu.sync_copy(ex_v, ex_hbm.at[pl.ds(off * HEADS, CH1 * HEADS)])
        pltpu.sync_copy(ex_v, den_sh.at[fidx_v], add=True)
        return carry

    lax.fori_loop(0, EPW // CH1, chunk_body, 0)
    plsc.subcore_barrier()
    pltpu.sync_copy(den_sh.at[pl.ds(sid * RPS * HEADS, RPS * HEADS)],
                    den_hbm.at[cid, pl.ds(sid * RPS * HEADS, RPS * HEADS)])


_sc_pass1_call = functools.partial(
    pl.kernel,
    out_type=(
        jax.ShapeDtypeStruct((EPAD * HEADS,), jnp.float32),
        jax.ShapeDtypeStruct((NC, NPAD * HEADS), jnp.float32),
    ),
    mesh=_mesh,
    compiler_params=_sc_params,
    scratch_types=[
        pltpu.VMEM((NPAD * HEADS,), jnp.float32),
        pltpu.VMEM((NPAD * HEADS,), jnp.float32),
        pltpu.VMEM((CH1,), jnp.int32),
        pltpu.VMEM((CH1,), jnp.int32),
        pltpu.VMEM((CH1 * HEADS,), jnp.float32),
        pltpu.VMEM((CH1 * HEADS,), jnp.int32),
        pltpu.VMEM((NLANE,), jnp.float32),
        pltpu.VMEM_SHARED((NPAD * HEADS,), jnp.float32),
    ],
)(_sc_pass1)


def _sc_pass2(src_ref, dst_ref, h_hbm, ex_hbm, zout_hbm,
              out_hbm,
              si0, di0, hv0, ex0, si1, di1, hv1, ex1, out_sh, sem0, sem1):
    cid = lax.axis_index("c")
    sid = lax.axis_index("s")
    wid = sid * NC + cid
    base = wid * EPW
    nch = EPW // CH2

    pltpu.sync_copy(zout_hbm.at[pl.ds(sid * RPS, RPS), :],
                    out_sh.at[pl.ds(sid * RPS, RPS), :])
    plsc.subcore_barrier()

    def stage(k, si_v, di_v, exv, hv, sem):
        off = base + k * CH2
        pltpu.sync_copy(src_ref.at[pl.ds(off, CH2)], si_v)
        pltpu.sync_copy(dst_ref.at[pl.ds(off, CH2)], di_v)
        pltpu.sync_copy(ex_hbm.at[pl.ds(off * HEADS, CH2 * HEADS)], exv)
        pltpu.async_copy(h_hbm.at[si_v], hv, sem)

    def work(si_v, di_v, exv, hv, sem):
        pltpu.make_async_copy(h_hbm.at[si_v], hv, sem).wait()

        def agrp(g, c2):
            for j in range(4):
                e = g * 4 + j
                for hp in range(HEADS):
                    lane = jnp.full((NLANE,), g * NLANE + j * HEADS + hp,
                                    jnp.int32)
                    a = plsc.load_gather(exv, [lane])
                    for half in range(2):
                        sl = pl.ds((hp * 2 + half) * NLANE, NLANE)
                        hv[e, sl] = hv[e, sl] * a
            return c2

        pltpu.sync_copy(hv, out_sh.at[di_v], add=True)

    stage(0, si0, di0, ex0, hv0, sem0)

    def pair_body(kk, carry):
        k0 = 2 * kk
        stage(k0 + 1, si1, di1, ex1, hv1, sem1)
        work(si0, di0, ex0, hv0, sem0)

        @pl.when(k0 + 2 < nch)
        def _():
            stage(k0 + 2, si0, di0, ex0, hv0, sem0)

        work(si1, di1, ex1, hv1, sem1)
        return carry

    lax.fori_loop(0, nch // 2, pair_body, 0)
    plsc.subcore_barrier()
    pltpu.sync_copy(out_sh.at[pl.ds(sid * RPS, RPS), :],
                    out_hbm.at[cid, pl.ds(sid * RPS, RPS), :])


_sc_pass2_call = functools.partial(
    pl.kernel,
    out_type=jax.ShapeDtypeStruct((NC, NPAD, DIM), jnp.float32),
    mesh=_mesh,
    compiler_params=_sc_params,
    scratch_types=[
        pltpu.VMEM((CH2,), jnp.int32),
        pltpu.VMEM((CH2,), jnp.int32),
        pltpu.VMEM((CH2, DIM), jnp.float32),
        pltpu.VMEM((CH2 * HEADS,), jnp.float32),
        pltpu.VMEM((CH2,), jnp.int32),
        pltpu.VMEM((CH2,), jnp.int32),
        pltpu.VMEM((CH2, DIM), jnp.float32),
        pltpu.VMEM((CH2 * HEADS,), jnp.float32),
        pltpu.VMEM_SHARED((NPAD, DIM), jnp.float32),
        pltpu.SemaphoreType.DMA,
        pltpu.SemaphoreType.DMA,
    ],
)(_sc_pass2)


def _ln(u, gamma, beta):
    mu = jnp.mean(u, axis=-1, keepdims=True)
    var = jnp.mean((u - mu) ** 2, axis=-1, keepdims=True)
    return (u - mu) * jax.lax.rsqrt(var + 1e-5) * gamma + beta


def _post_body(x_ref, p_ref, d_ref, r_ref, bg_ref, g_ref, b_ref, w1_ref,
               b1_ref, w2_ref, b2_ref, o_ref):
    x = x_ref[...]
    rden = 1.0 / (d_ref[0] + d_ref[1] + 1e-16)
    rdx = jnp.dot(rden, r_ref[...], preferred_element_type=jnp.float32)
    gat = (p_ref[0] + p_ref[1]) * rdx + bg_ref[...]
    h1 = _ln(x + gat, g_ref[...], b_ref[...])
    z = jnp.dot(h1, w1_ref[...], preferred_element_type=jnp.float32) + b1_ref[...]
    f = 0.5 * z * (1.0 + lax.erf(z * (2.0 ** -0.5)))
    ffn = jnp.dot(f, w2_ref[...], preferred_element_type=jnp.float32) + b2_ref[...]
    o_ref[...] = _ln(h1 + ffn, g_ref[...], b_ref[...]) + x


def _stage4(xpad, parts, den, rexp, b_gat, gamma, beta, w1, b1, w2, b2):
    blk = 1024
    grid = (NPAD // blk,)
    return pl.pallas_call(
        _post_body,
        grid=grid,
        in_specs=[
            pl.BlockSpec((blk, DIM), lambda i: (i, 0)),
            pl.BlockSpec((NC, blk, DIM), lambda i: (0, i, 0)),
            pl.BlockSpec((NC, blk, HEADS), lambda i: (0, i, 0)),
            pl.BlockSpec((HEADS, DIM), lambda i: (0, 0)),
            pl.BlockSpec((1, DIM), lambda i: (0, 0)),
            pl.BlockSpec((1, DIM), lambda i: (0, 0)),
            pl.BlockSpec((1, DIM), lambda i: (0, 0)),
            pl.BlockSpec((DIM, 4 * DIM), lambda i: (0, 0)),
            pl.BlockSpec((1, 4 * DIM), lambda i: (0, 0)),
            pl.BlockSpec((4 * DIM, DIM), lambda i: (0, 0)),
            pl.BlockSpec((1, DIM), lambda i: (0, 0)),
        ],
        out_specs=pl.BlockSpec((blk, DIM), lambda i: (i, 0)),
        out_shape=jax.ShapeDtypeStruct((NPAD, DIM), jnp.float32),
    )(xpad, parts, den, rexp, b_gat.reshape(1, DIM), gamma.reshape(1, DIM),
      beta.reshape(1, DIM), w1, b1.reshape(1, 4 * DIM), w2,
      b2.reshape(1, DIM))


def kernel(x, edge_index, W_gat, att_src, att_dst, b_gat, gamma, beta,
           W1, b1, W2, b2):
    xpad = jnp.pad(x, ((0, NPAD - N_NODES), (0, 0)))
    loop = jnp.arange(N_NODES, dtype=edge_index.dtype)
    padE = jnp.full((EPAD - ETOT,), PADROW, dtype=edge_index.dtype)
    src = jnp.concatenate([edge_index[0], loop, padE])
    dst = jnp.concatenate([edge_index[1], loop, padE])

    eye = jnp.eye(HEADS, dtype=jnp.float32)
    as_mat = (att_src[:, :, None] * eye[:, None, :]).reshape(DIM, HEADS)
    ad_mat = (att_dst[:, :, None] * eye[:, None, :]).reshape(DIM, HEADS)
    rexp = jnp.kron(eye, jnp.ones((1, HEAD_DIM), jnp.float32))

    h, a_s, a_d, crow = _stage1(xpad, W_gat, as_mat, ad_mat)
    cvec = jnp.tile(crow.reshape(HEADS), NLANE // HEADS)

    zden = jnp.zeros((NPAD * HEADS,), jnp.float32)
    ex, den = _sc_pass1_call(src, dst, a_s.reshape(-1), a_d.reshape(-1),
                             cvec, zden)

    zout = jnp.zeros((NPAD, DIM), jnp.float32)
    parts = _sc_pass2_call(src, dst, h, ex, zout)

    out = _stage4(xpad, parts, den.reshape(NC, NPAD, HEADS), rexp,
                  b_gat, gamma, beta, W1, b1, W2, b2)
    return out[:N_NODES]

# --- scband reference (transcript-rebuilt; emitter-appended) ---
"""Pipeline reference for scband-graph-attention-layer-32950989095660 (READ-ONLY COPY).

The authoritative reference and input builder live on the scoring server;
editing this copy changes nothing except your own understanding.
"""

import jax, jax.numpy as jnp
import numpy as np

DIM = 128
HEADS = 4
HEAD_DIM = DIM // HEADS
N_NODES = 10000
N_EDGES = 320000


def setup_inputs(seed: int = 0) -> dict:
    key = jax.random.key(seed)
    ks = jax.random.split(key, 8)
    x = jax.random.normal(ks[0], (N_NODES, DIM), dtype=jnp.float32)
    edge_index = jax.random.randint(ks[1], (2, N_EDGES), 0, N_NODES, dtype=jnp.int32)
    s = 0.05
    W_gat = jax.random.normal(ks[2], (DIM, DIM), dtype=jnp.float32) * s
    att_src = jax.random.normal(ks[3], (HEADS, HEAD_DIM), dtype=jnp.float32) * s
    att_dst = jax.random.normal(ks[4], (HEADS, HEAD_DIM), dtype=jnp.float32) * s
    b_gat = jnp.zeros((DIM,), dtype=jnp.float32)
    gamma = jnp.ones((DIM,), dtype=jnp.float32)
    beta = jnp.zeros((DIM,), dtype=jnp.float32)
    W1 = jax.random.normal(ks[5], (DIM, 4 * DIM), dtype=jnp.float32) * s
    b1 = jnp.zeros((4 * DIM,), dtype=jnp.float32)
    W2 = jax.random.normal(ks[6], (4 * DIM, DIM), dtype=jnp.float32) * s
    b2 = jnp.zeros((DIM,), dtype=jnp.float32)
    return {"x": x, "edge_index": edge_index, "W_gat": W_gat, "att_src": att_src,
            "att_dst": att_dst, "b_gat": b_gat, "gamma": gamma, "beta": beta,
            "W1": W1, "b1": b1, "W2": W2, "b2": b2}


def _layernorm(x, gamma, beta, eps=1e-5):
    mu = jnp.mean(x, axis=-1, keepdims=True)
    var = jnp.mean((x - mu) ** 2, axis=-1, keepdims=True)
    return (x - mu) / jnp.sqrt(var + eps) * gamma + beta


def _gat(x, edge_index, W_gat, att_src, att_dst, b_gat):
    # PyG GATConv semantics: linear proj per head, additive attention with
    # LeakyReLU(0.2), softmax over incoming edges per destination node,
    # self-loops added (add_self_loops=True default), heads concatenated.
    # Dropout is identity in eval mode.
    N = x.shape[0]
    loop = jnp.arange(N, dtype=edge_index.dtype)
    src = jnp.concatenate([edge_index[0], loop])
    dst = jnp.concatenate([edge_index[1], loop])
    h = (x @ W_gat).reshape(N, HEADS, HEAD_DIM)
    a_src = jnp.sum(h * att_src[None, :, :], axis=-1)  # [N, H]
    a_dst = jnp.sum(h * att_dst[None, :, :], axis=-1)  # [N, H]
    e = a_src[src] + a_dst[dst]                        # [E, H] (gather)
    e = jax.nn.leaky_relu(e, negative_slope=0.2)
    e_max = jax.lax.stop_gradient(jax.ops.segment_max(e, dst, num_segments=N))
    ex = jnp.exp(e - e_max[dst])
    denom = jax.ops.segment_sum(ex, dst, num_segments=N)
    alpha = ex / (denom[dst] + 1e-16)
    msg = h[src] * alpha[:, :, None]                   # [E, H, C]
    out = jax.ops.segment_sum(msg, dst, num_segments=N)  # scatter-add
    return out.reshape(N, DIM) + b_gat


def reference(x, edge_index, W_gat, att_src, att_dst, b_gat, gamma, beta, W1, b1, W2, b2):
    residual = x
    h = _layernorm(x + _gat(x, edge_index, W_gat, att_src, att_dst, b_gat), gamma, beta)
    ffn = jax.nn.gelu(h @ W1 + b1, approximate=False) @ W2 + b2
    h = _layernorm(h + ffn, gamma, beta)
    return h + residual

if __name__ == "__main__":
    import jax
    _d = setup_inputs()
    print(jax.jit(kernel)(*tuple(_d.values())))

</pallas_src>

<mosaic_0001>
#map = affine_map<(d0, d1) -> (0)>
#map1 = affine_map<(d0, d1) -> (0, 0)>
module attributes {stable_mosaic.version = 14 : i64} {
  func.func @_sc_pass1(%arg0: i32, %arg1: i32, %arg2: memref<330240xi32, #tpu.memory_space<hbm>>, %arg3: memref<330240xi32, #tpu.memory_space<hbm>>, %arg4: memref<40960xf32, #tpu.memory_space<hbm>>, %arg5: memref<40960xf32, #tpu.memory_space<hbm>>, %arg6: memref<16xf32, #tpu.memory_space<hbm>>, %arg7: memref<40960xf32, #tpu.memory_space<hbm>>, %arg8: memref<1320960xf32, #tpu.memory_space<hbm>>, %arg9: memref<2x40960xf32, #tpu.memory_space<hbm>>, %arg10: memref<40960xf32, #tpu.memory_space<vmem>>, %arg11: memref<40960xf32, #tpu.memory_space<vmem>>, %arg12: memref<1032xi32, #tpu.memory_space<vmem>>, %arg13: memref<1032xi32, #tpu.memory_space<vmem>>, %arg14: memref<4128xf32, #tpu.memory_space<vmem>>, %arg15: memref<4128xi32, #tpu.memory_space<vmem>>, %arg16: memref<16xf32, #tpu.memory_space<vmem>>, %arg17: memref<40960xf32, #tpu.memory_space<vmem_shared>>) attributes {dimension_semantics = [#tpu.dimension_semantics<core_parallel>, #tpu.dimension_semantics<subcore_parallel>], iteration_bounds = array<i64: 2, 16>, scalar_prefetch = 0 : i64, scratch_operands = 8 : i64, tpu.core_type = #tpu.core_type<sc_vector_subcore>, window_params = [{transform_indices = #map}, {transform_indices = #map}, {transform_indices = #map}, {transform_indices = #map}, {transform_indices = #map}, {transform_indices = #map}, {transform_indices = #map}, {transform_indices = #map1}]} {
    %mul3A = arith.constant 2 : i32
    %mul3A_0 = arith.muli %arg1, %mul3A : i32
    %add3A = arith.addi %mul3A_0, %arg0 : i32
    %mul3A_1 = arith.constant 10320 : i32
    %mul3A_2 = arith.muli %add3A, %mul3A_1 : i32
    "tpu.region"() ({
      %run_scoped3A = tpu.sem_alloc : memref<!tpu.dma_semaphore, #tpu.memory_space<semaphore_mem>>
      tpu.enqueue_dma source(%arg4 : memref<40960xf32, #tpu.memory_space<hbm>>) target(%arg10 : memref<40960xf32, #tpu.memory_space<vmem>>) target_semaphore(%run_scoped3A : memref<!tpu.dma_semaphore, #tpu.memory_space<semaphore_mem>>)
      tpu.wait_dma2 semaphore(%run_scoped3A : memref<!tpu.dma_semaphore, #tpu.memory_space<semaphore_mem>>) src(%arg4 : memref<40960xf32, #tpu.memory_space<hbm>>) dst(%arg10 : memref<40960xf32, #tpu.memory_space<vmem>>)
      tpu.yield
    }) : () -> ()
    "tpu.region"() ({
      %run_scoped3A = tpu.sem_alloc : memref<!tpu.dma_semaphore, #tpu.memory_space<semaphore_mem>>
      tpu.enqueue_dma source(%arg5 : memref<40960xf32, #tpu.memory_space<hbm>>) target(%arg11 : memref<40960xf32, #tpu.memory_space<vmem>>) target_semaphore(%run_scoped3A : memref<!tpu.dma_semaphore, #tpu.memory_space<semaphore_mem>>)
      tpu.wait_dma2 semaphore(%run_scoped3A : memref<!tpu.dma_semaphore, #tpu.memory_space<semaphore_mem>>) src(%arg5 : memref<40960xf32, #tpu.memory_space<hbm>>) dst(%arg11 : memref<40960xf32, #tpu.memory_space<vmem>>)
      tpu.yield
    }) : () -> ()
    "tpu.region"() ({
      %run_scoped3A = tpu.sem_alloc : memref<!tpu.dma_semaphore, #tpu.memory_space<semaphore_mem>>
      tpu.enqueue_dma source(%arg6 : memref<16xf32, #tpu.memory_space<hbm>>) target(%arg16 : memref<16xf32, #tpu.memory_space<vmem>>) target_semaphore(%run_scoped3A : memref<!tpu.dma_semaphore, #tpu.memory_space<semaphore_mem>>)
      tpu.wait_dma2 semaphore(%run_scoped3A : memref<!tpu.dma_semaphore, #tpu.memory_space<semaphore_mem>>) src(%arg6 : memref<16xf32, #tpu.memory_space<hbm>>) dst(%arg16 : memref<16xf32, #tpu.memory_space<vmem>>)
      tpu.yield
    }) : () -> ()
    %mul3A_3 = arith.constant 640 : i32
    %mul3A_4 = arith.muli %arg1, %mul3A_3 : i32
    %mul3A_5 = arith.constant 4 : i32
    %mul3A_6 = arith.muli %mul3A_4, %mul3A_5 : i32
    %mul3A_7 = arith.constant 640 : i32
    %mul3A_8 = arith.muli %arg1, %mul3A_7 : i32
    %mul3A_9 = arith.constant 4 : i32
    %mul3A_10 = arith.muli %mul3A_8, %mul3A_9 : i32
    "tpu.region"() ({
      %run_scoped3A = tpu.sem_alloc : memref<!tpu.dma_semaphore, #tpu.memory_space<semaphore_mem>>
      %dma_start3A = tpu.memref_slice %arg17[%mul3A_10] : memref<40960xf32, #tpu.memory_space<vmem_shared>> -> memref<2560xf32, #tpu.memory_space<vmem_shared>>
      %dma_start3A_69 = tpu.memref_slice %arg7[%mul3A_6] : memref<40960xf32, #tpu.memory_space<hbm>> -> memref<2560xf32, #tpu.memory_space<hbm>>
      tpu.enqueue_dma source(%dma_start3A_69 : memref<2560xf32, #tpu.memory_space<hbm>>) target(%dma_start3A : memref<2560xf32, #tpu.memory_space<vmem_shared>>) target_semaphore(%run_scoped3A : memref<!tpu.dma_semaphore, #tpu.memory_space<semaphore_mem>>)
      %dma_wait3A = tpu.memref_slice %arg17[%mul3A_10] : memref<40960xf32, #tpu.memory_space<vmem_shared>> -> memref<2560xf32, #tpu.memory_space<vmem_shared>>
      %dma_wait3A_70 = tpu.memref_slice %arg7[%mul3A_6] : memref<40960xf32, #tpu.memory_space<hbm>> -> memref<2560xf32, #tpu.memory_space<hbm>>
      tpu.wait_dma2 semaphore(%run_scoped3A : memref<!tpu.dma_semaphore, #tpu.memory_space<semaphore_mem>>) src(%dma_wait3A_70 : memref<2560xf32, #tpu.memory_space<hbm>>) dst(%dma_wait3A : memref<2560xf32, #tpu.memory_space<vmem_shared>>)
      tpu.yield
    }) : () -> ()
    %barrier3A = arith.constant 0 : index
    tpu.barrier barrier_id(%barrier3A)
    %get3A = arith.constant 0 : index
    %get3A_11 = tpu.vector_load %arg16[%get3A] {strides = array<i32>} : memref<16xf32, #tpu.memory_space<vmem>>, vector<16xf32>,
    %iota3A = tpu.iota {dimensions = array<i32: 0>} : vector<16xi32>
    %jit3A = arith.constant 4 : i32
    %div3A = vector.broadcast %jit3A : i32 to vector<16xi32>
    %div3A_12 = arith.divsi %iota3A, %div3A : vector<16xi32>
    %sign3A = arith.constant 0 : i32
    %sign3A_13 = vector.broadcast %sign3A : i32 to vector<16xi32>
    %sign3A_14 = arith.cmpi sgt, %iota3A, %sign3A_13 : vector<16xi32>
    %sign3A_15 = arith.extui %sign3A_14 : vector<16xi1> to vector<16xi32>
    %sign3A_16 = arith.constant 0 : i32
    %sign3A_17 = vector.broadcast %sign3A_16 : i32 to vector<16xi32>
    %sign3A_18 = arith.cmpi slt, %iota3A, %sign3A_17 : vector<16xi32>
    %sign3A_19 = arith.extui %sign3A_18 : vector<16xi1> to vector<16xi32>
    %sign3A_20 = arith.subi %sign3A_15, %sign3A_19 : vector<16xi32>
    %sign3A_21 = arith.constant 0 : i32
    %sign3A_22 = arith.cmpi sgt, %jit3A, %sign3A_21 : i32
    %sign3A_23 = arith.extui %sign3A_22 : i1 to i32
    %sign3A_24 = arith.constant 0 : i32
    %sign3A_25 = arith.cmpi slt, %jit3A, %sign3A_24 : i32
    %sign3A_26 = arith.extui %sign3A_25 : i1 to i32
    %sign3A_27 = arith.subi %sign3A_23, %sign3A_26 : i32
    %ne3A = vector.broadcast %sign3A_27 : i32 to vector<16xi32>
    %ne3A_28 = arith.cmpi ne, %sign3A_20, %ne3A : vector<16xi32>
    %rem3A = vector.broadcast %jit3A : i32 to vector<16xi32>
    %rem3A_29 = arith.remsi %iota3A, %rem3A : vector<16xi32>
    %ne3A_30 = arith.constant 0 : i32
    %ne3A_31 = vector.broadcast %ne3A_30 : i32 to vector<16xi32>
    %ne3A_32 = arith.cmpi ne, %rem3A_29, %ne3A_31 : vector<16xi32>
    %and3A = arith.andi %ne3A_28, %ne3A_32 : vector<16xi1>
    %sub3A = arith.constant 1 : i32
    %sub3A_33 = vector.broadcast %sub3A : i32 to vector<16xi32>
    %sub3A_34 = arith.subi %div3A_12, %sub3A_33 : vector<16xi32>
    %select_n3A = arith.select %and3A, %sub3A_34, %div3A_12 : vector<16xi1>, vector<16xi32>
    %jit3A_35 = arith.constant 4 : i32
    %eq3A = arith.constant 0 : i32
    %eq3A_36 = arith.cmpi eq, %jit3A_35, %eq3A : i32
    %jit3A_37 = arith.constant 1 : i32
    %select_n3A_38 = arith.select %eq3A_36, %jit3A_37, %jit3A_35 : i32
    %rem3A_39 = vector.broadcast %select_n3A_38 : i32 to vector<16xi32>
    %rem3A_40 = arith.remsi %iota3A, %rem3A_39 : vector<16xi32>
    %ne3A_41 = arith.constant 0 : i32
    %ne3A_42 = vector.broadcast %ne3A_41 : i32 to vector<16xi32>
    %ne3A_43 = arith.cmpi ne, %rem3A_40, %ne3A_42 : vector<16xi32>
    %lt3A = arith.constant 0 : i32
    %lt3A_44 = vector.broadcast %lt3A : i32 to vector<16xi32>
    %lt3A_45 = arith.cmpi slt, %rem3A_40, %lt3A_44 : vector<16xi32>
    %lt3A_46 = arith.constant 0 : i32
    %lt3A_47 = arith.cmpi slt, %select_n3A_38, %lt3A_46 : i32
    %ne3A_48 = vector.broadcast %lt3A_47 : i1 to vector<16xi1>
    %ne3A_49 = vector.broadcast %ne3A_48 : vector<16xi1> to vector<16xi1>
    %ne3A_50 = arith.xori %lt3A_45, %ne3A_49 : vector<16xi1>
    %and3A_51 = arith.andi %ne3A_50, %ne3A_43 : vector<16xi1>
    %add3A_52 = vector.broadcast %select_n3A_38 : i32 to vector<16xi32>
    %add3A_53 = arith.addi %rem3A_40, %add3A_52 : vector<16xi32>
    %select_n3A_54 = arith.select %and3A_51, %add3A_53, %rem3A_40 : vector<16xi1>, vector<16xi32>
    %scan3A = arith.constant 0 : i32
    %scan3A_55 = arith.constant 0 : i32
    %scan3A_56 = arith.constant 10 : i32
    %scan3A_57 = arith.addi %scan3A_55, %scan3A_56 : i32
    %scan3A_58 = arith.constant 1 : i32
    scf.for %scan3A_69 = %scan3A_55 to %scan3A_57 step %scan3A_58  : i32 {
      %mul3A_70 = arith.constant 1032 : i32
      %mul3A_71 = arith.muli %scan3A_69, %mul3A_70 : i32
      %add3A_72 = arith.addi %mul3A_2, %mul3A_71 : i32
      "tpu.region"() ({
        %run_scoped3A = tpu.sem_alloc : memref<!tpu.dma_semaphore, #tpu.memory_space<semaphore_mem>>
        %dma_start3A = tpu.memref_slice %arg2[%add3A_72] : memref<330240xi32, #tpu.memory_space<hbm>> -> memref<1032xi32, #tpu.memory_space<hbm>>
        %dma_start3A_81 = tpu.memref_slice %arg2[%add3A_72] : memref<330240xi32, #tpu.memory_space<hbm>> -> memref<1032xi32, #tpu.memory_space<hbm>>
        tpu.enqueue_dma source(%dma_start3A_81 : memref<1032xi32, #tpu.memory_space<hbm>>) target(%arg12 : memref<1032xi32, #tpu.memory_space<vmem>>) target_semaphore(%run_scoped3A : memref<!tpu.dma_semaphore, #tpu.memory_space<semaphore_mem>>)
        %dma_wait3A = tpu.memref_slice %arg2[%add3A_72] : memref<330240xi32, #tpu.memory_space<hbm>> -> memref<1032xi32, #tpu.memory_space<hbm>>
        %dma_wait3A_82 = tpu.memref_slice %arg2[%add3A_72] : memref<330240xi32, #tpu.memory_space<hbm>> -> memref<1032xi32, #tpu.memory_space<hbm>>
        tpu.wait_dma2 semaphore(%run_scoped3A : memref<!tpu.dma_semaphore, #tpu.memory_space<semaphore_mem>>) src(%dma_wait3A_82 : memref<1032xi32, #tpu.memory_space<hbm>>) dst(%arg12 : memref<1032xi32, #tpu.memory_space<vmem>>)
        tpu.yield
      }) : () -> ()
      "tpu.region"() ({
        %run_scoped3A = tpu.sem_alloc : memref<!tpu.dma_semaphore, #tpu.memory_space<semaphore_mem>>
        %dma_start3A = tpu.memref_slice %arg3[%add3A_72] : memref<330240xi32, #tpu.memory_space<hbm>> -> memref<1032xi32, #tpu.memory_space<hbm>>
        %dma_start3A_81 = tpu.memref_slice %arg3[%add3A_72] : memref<330240xi32, #tpu.memory_space<hbm>> -> memref<1032xi32, #tpu.memory_space<hbm>>
        tpu.enqueue_dma source(%dma_start3A_81 : memref<1032xi32, #tpu.memory_space<hbm>>) target(%arg13 : memref<1032xi32, #tpu.memory_space<vmem>>) target_semaphore(%run_scoped3A : memref<!tpu.dma_semaphore, #tpu.memory_space<semaphore_mem>>)
        %dma_wait3A = tpu.memref_slice %arg3[%add3A_72] : memref<330240xi32, #tpu.memory_space<hbm>> -> memref<1032xi32, #tpu.memory_space<hbm>>
        %dma_wait3A_82 = tpu.memref_slice %arg3[%add3A_72] : memref<330240xi32, #tpu.memory_space<hbm>> -> memref<1032xi32, #tpu.memory_space<hbm>>
        tpu.wait_dma2 semaphore(%run_scoped3A : memref<!tpu.dma_semaphore, #tpu.memory_space<semaphore_mem>>) src(%dma_wait3A_82 : memref<1032xi32, #tpu.memory_space<hbm>>) dst(%arg13 : memref<1032xi32, #tpu.memory_space<vmem>>)
        tpu.yield
      }) : () -> ()
      %scan3A_73 = arith.constant 0 : i32
      %scan3A_74 = arith.constant 0 : i32
      %scan3A_75 = arith.constant 258 : i32
      %scan3A_76 = arith.addi %scan3A_74, %scan3A_75 : i32
      %scan3A_77 = arith.constant 1 : i32
      scf.for %scan3A_81 = %scan3A_74 to %scan3A_76 step %scan3A_77  : i32 {
        %mul3A_82 = arith.constant 4 : i32
        %mul3A_83 = arith.muli %scan3A_81, %mul3A_82 : i32
        %add3A_84 = vector.broadcast %mul3A_83 : i32 to vector<16xi32>
        %add3A_85 = arith.addi %select_n3A, %add3A_84 : vector<16xi32>
        %gather3A = tpu.vector_load_idx %arg12[%add3A_85] : memref<1032xi32, #tpu.memory_space<vmem>>[vector<16xi32>], vector<16xi32>,
        %gather3A_86 = tpu.vector_load_idx %arg13[%add3A_85] : memref<1032xi32, #tpu.memory_space<vmem>>[vector<16xi32>], vector<16xi32>,
        %mul3A_87 = arith.constant 4 : i32
        %mul3A_88 = vector.broadcast %mul3A_87 : i32 to vector<16xi32>
        %mul3A_89 = arith.muli %gather3A, %mul3A_88 : vector<16xi32>
        %add3A_90 = arith.addi %mul3A_89, %select_n3A_54 : vector<16xi32>
        %gather3A_91 = tpu.vector_load_idx %arg10[%add3A_90] : memref<40960xf32, #tpu.memory_space<vmem>>[vector<16xi32>], vector<16xf32>,
        %mul3A_92 = arith.constant 4 : i32
        %mul3A_93 = vector.broadcast %mul3A_92 : i32 to vector<16xi32>
        %mul3A_94 = arith.muli %gather3A_86, %mul3A_93 : vector<16xi32>
        %add3A_95 = arith.addi %mul3A_94, %select_n3A_54 : vector<16xi32>
        %gather3A_96 = tpu.vector_load_idx %arg11[%add3A_95] : memref<40960xf32, #tpu.memory_space<vmem>>[vector<16xi32>], vector<16xf32>,
        %add3A_97 = arith.addf %gather3A_91, %gather3A_96 : vector<16xf32>
        %max3A = arith.constant 0.000000e+00 : f32
        %max3A_98 = vector.broadcast %max3A : f32 to vector<16xf32>
        %max3A_99 = arith.maximumf %add3A_97, %max3A_98 : vector<16xf32>
        %min3A = arith.constant 0.000000e+00 : f32
        %min3A_100 = vector.broadcast %min3A : f32 to vector<16xf32>
        %min3A_101 = arith.minimumf %add3A_97, %min3A_100 : vector<16xf32>
        %mul3A_102 = arith.constant 2.000000e-01 : f32
        %mul3A_103 = vector.broadcast %mul3A_102 : f32 to vector<16xf32>
        %mul3A_104 = arith.mulf %mul3A_103, %min3A_101 : vector<16xf32>
        %add3A_105 = arith.addf %max3A_99, %mul3A_104 : vector<16xf32>
        %sub3A_106 = arith.subf %add3A_105, %get3A_11 : vector<16xf32>
        %exp3A = math.exp %sub3A_106 : vector<16xf32>
        %mul3A_107 = arith.constant 16 : i32
        %mul3A_108 = arith.muli %scan3A_81, %mul3A_107 : i32
        %swap3A = arith.index_cast %mul3A_108 : i32 to index
        %swap3A_109 = tpu.vector_load %arg14[%swap3A] {strides = array<i32>} : memref<4128xf32, #tpu.memory_space<vmem>>, vector<16xf32>,
        tpu.vector_store %arg14[%swap3A], %exp3A {strides = array<i32>} : memref<4128xf32, #tpu.memory_space<vmem>>, vector<16xf32>,
        %mul3A_110 = arith.constant 4 : i32
        %mul3A_111 = vector.broadcast %mul3A_110 : i32 to vector<16xi32>
        %mul3A_112 = arith.muli %gather3A_86, %mul3A_111 : vector<16xi32>
        %add3A_113 = arith.addi %mul3A_112, %select_n3A_54 : vector<16xi32>
        %swap3A_114 = arith.index_cast %mul3A_108 : i32 to index
        %swap3A_115 = tpu.vector_load %arg15[%swap3A_114] {strides = array<i32>} : memref<4128xi32, #tpu.memory_space<vmem>>, vector<16xi32>,
        tpu.vector_store %arg15[%swap3A_114], %add3A_113 {strides = array<i32>} : memref<4128xi32, #tpu.memory_space<vmem>>, vector<16xi32>,
      }
      %scan3A_78 = arith.constant 258 : i32
      %mul3A_79 = arith.constant 4 : i32
      %mul3A_80 = arith.muli %add3A_72, %mul3A_79 : i32
      "tpu.region"() ({
        %run_scoped3A = tpu.sem_alloc : memref<!tpu.dma_semaphore, #tpu.memory_space<semaphore_mem>>
        %dma_start3A = tpu.memref_slice %arg8[%mul3A_80] : memref<1320960xf32, #tpu.memory_space<hbm>> -> memref<4128xf32, #tpu.memory_space<hbm>>
        %dma_start3A_81 = tpu.memref_slice %arg8[%mul3A_80] : memref<1320960xf32, #tpu.memory_space<hbm>> -> memref<4128xf32, #tpu.memory_space<hbm>>
        tpu.enqueue_dma source(%arg14 : memref<4128xf32, #tpu.memory_space<vmem>>) target(%dma_start3A_81 : memref<4128xf32, #tpu.memory_space<hbm>>) target_semaphore(%run_scoped3A : memref<!tpu.dma_semaphore, #tpu.memory_space<semaphore_mem>>)
        %dma_wait3A = tpu.memref_slice %arg8[%mul3A_80] : memref<1320960xf32, #tpu.memory_space<hbm>> -> memref<4128xf32, #tpu.memory_space<hbm>>
        %dma_wait3A_82 = tpu.memref_slice %arg8[%mul3A_80] : memref<1320960xf32, #tpu.memory_space<hbm>> -> memref<4128xf32, #tpu.memory_space<hbm>>
        tpu.wait_dma2 semaphore(%run_scoped3A : memref<!tpu.dma_semaphore, #tpu.memory_space<semaphore_mem>>) src(%arg14 : memref<4128xf32, #tpu.memory_space<vmem>>) dst(%dma_wait3A_82 : memref<4128xf32, #tpu.memory_space<hbm>>)
        tpu.yield
      }) : () -> ()
      "tpu.region"() ({
        %run_scoped3A = tpu.sem_alloc : memref<!tpu.dma_semaphore, #tpu.memory_space<semaphore_mem>>
        %dma_start3A = arith.constant 0 : i32
        %dma_start3A_81 = tpu.memref_slice %arg17[%dma_start3A] : memref<40960xf32, #tpu.memory_space<vmem_shared>> -> memref<40960xf32, #tpu.memory_space<vmem_shared>>
        tpu.enqueue_indirect_dma source(%arg14 : memref<4128xf32, #tpu.memory_space<vmem>>) target(%dma_start3A_81 : memref<40960xf32, #tpu.memory_space<vmem_shared>>) offsets(%arg15 : memref<4128xi32, #tpu.memory_space<vmem>>) semaphore(%run_scoped3A : memref<!tpu.dma_semaphore, #tpu.memory_space<semaphore_mem>>) {add = true}
        %dma_wait3A = arith.constant 0 : i32
        %dma_wait3A_82 = tpu.memref_slice %arg17[%dma_wait3A] : memref<40960xf32, #tpu.memory_space<vmem_shared>> -> memref<40960xf32, #tpu.memory_space<vmem_shared>>
        tpu.wait_indirect_dma semaphore(%run_scoped3A : memref<!tpu.dma_semaphore, #tpu.memory_space<semaphore_mem>>) src(%arg14 : memref<4128xf32, #tpu.memory_space<vmem>>) dst(%dma_wait3A_82 : memref<40960xf32, #tpu.memory_space<vmem_shared>>)
        tpu.yield
      }) : () -> ()
    }
    %scan3A_59 = arith.constant 10 : i32
    %barrier3A_60 = arith.constant 0 : index
    tpu.barrier barrier_id(%barrier3A_60)
    %mul3A_61 = arith.constant 640 : i32
    %mul3A_62 = arith.muli %arg1, %mul3A_61 : i32
    %mul3A_63 = arith.constant 4 : i32
    %mul3A_64 = arith.muli %mul3A_62, %mul3A_63 : i32
    %mul3A_65 = arith.constant 640 : i32
    %mul3A_66 = arith.muli %arg1, %mul3A_65 : i32
    %mul3A_67 = arith.constant 4 : i32
    %mul3A_68 = arith.muli %mul3A_66, %mul3A_67 : i32
    "tpu.region"() ({
      %run_scoped3A = tpu.sem_alloc : memref<!tpu.dma_semaphore, #tpu.memory_space<semaphore_mem>>
      %dma_start3A = tpu.memref_slice %arg9[%arg0, %mul3A_68] : memref<2x40960xf32, #tpu.memory_space<hbm>> -> memref<1x2560xf32, #tpu.memory_space<hbm>>
      %dma_start3A_69 = tpu.memref_squeeze %dma_start3A : memref<1x2560xf32, #tpu.memory_space<hbm>> -> memref<2560xf32, #tpu.memory_space<hbm>>
      %dma_start3A_70 = tpu.memref_slice %arg17[%mul3A_64] : memref<40960xf32, #tpu.memory_space<vmem_shared>> -> memref<2560xf32, #tpu.memory_space<vmem_shared>>
      tpu.enqueue_dma source(%dma_start3A_70 : memref<2560xf32, #tpu.memory_space<vmem_shared>>) target(%dma_start3A_69 : memref<2560xf32, #tpu.memory_space<hbm>>) target_semaphore(%run_scoped3A : memref<!tpu.dma_semaphore, #tpu.memory_space<semaphore_mem>>)
      %dma_wait3A = tpu.memref_slice %arg9[%arg0, %mul3A_68] : memref<2x40960xf32, #tpu.memory_space<hbm>> -> memref<1x2560xf32, #tpu.memory_space<hbm>>
      %dma_wait3A_71 = tpu.memref_squeeze %dma_wait3A : memref<1x2560xf32, #tpu.memory_space<hbm>> -> memref<2560xf32, #tpu.memory_space<hbm>>
      %dma_wait3A_72 = tpu.memref_slice %arg17[%mul3A_64] : memref<40960xf32, #tpu.memory_space<vmem_shared>> -> memref<2560xf32, #tpu.memory_space<vmem_shared>>
      tpu.wait_dma2 semaphore(%run_scoped3A : memref<!tpu.dma_semaphore, #tpu.memory_space<semaphore_mem>>) src(%dma_wait3A_72 : memref<2560xf32, #tpu.memory_space<vmem_shared>>) dst(%dma_wait3A_71 : memref<2560xf32, #tpu.memory_space<hbm>>)
      tpu.yield
    }) : () -> ()
    return
  }
}

#map = affine_map<(d0, d1) -> (0)>
#map1 = affine_map<(d0, d1) -> (0, 0)>
#map2 = affine_map<(d0, d1) -> (0, 0, 0)>
module attributes {stable_mosaic.version = 14 : i64} {
  func.func @_sc_pass2(%arg0: i32, %arg1: i32, %arg2: memref<330240xi32, #tpu.memory_space<hbm>>, %arg3: memref<330240xi32, #tpu.memory_space<hbm>>, %arg4: memref<10240x128xf32, #tpu.memory_space<hbm>>, %arg5: memref<1320960xf32, #tpu.memory_space<hbm>>, %arg6: memref<10240x128xf32, #tpu.memory_space<hbm>>, %arg7: memref<2x10240x128xf32, #tpu.memory_space<hbm>>, %arg8: memref<120xi32, #tpu.memory_space<vmem>>, %arg9: memref<120xi32, #tpu.memory_space<vmem>>, %arg10: memref<120x128xf32, #tpu.memory_space<vmem>>, %arg11: memref<480xf32, #tpu.memory_space<vmem>>, %arg12: memref<120xi32, #tpu.memory_space<vmem>>, %arg13: memref<120xi32, #tpu.memory_space<vmem>>, %arg14: memref<120x128xf32, #tpu.memory_space<vmem>>, %arg15: memref<480xf32, #tpu.memory_space<vmem>>, %arg16: memref<10240x128xf32, #tpu.memory_space<vmem_shared>>, %arg17: memref<!tpu.dma_semaphore, #tpu.memory_space<semaphore_mem>>, %arg18: memref<!tpu.dma_semaphore, #tpu.memory_space<semaphore_mem>>) attributes {dimension_semantics = [#tpu.dimension_semantics<core_parallel>, #tpu.dimension_semantics<subcore_parallel>], iteration_bounds = array<i64: 2, 16>, scalar_prefetch = 0 : i64, scratch_operands = 11 : i64, tpu.core_type = #tpu.core_type<sc_vector_subcore>, window_params = [{transform_indices = #map}, {transform_indices = #map}, {transform_indices = #map1}, {transform_indices = #map}, {transform_indices = #map1}, {transform_indices = #map2}]} {
    %mul3A = arith.constant 2 : i32
    %mul3A_0 = arith.muli %arg1, %mul3A : i32
    %add3A = arith.addi %mul3A_0, %arg0 : i32
    %mul3A_1 = arith.constant 10320 : i32
    %mul3A_2 = arith.muli %add3A, %mul3A_1 : i32
    %mul3A_3 = arith.constant 640 : i32
    %mul3A_4 = arith.muli %arg1, %mul3A_3 : i32
    %mul3A_5 = arith.constant 640 : i32
    %mul3A_6 = arith.muli %arg1, %mul3A_5 : i32
    "tpu.region"() ({
      %run_scoped3A = tpu.sem_alloc : memref<!tpu.dma_semaphore, #tpu.memory_space<semaphore_mem>>
      %dma_start3A_23 = arith.constant 0 : i32
      %dma_start3A_24 = tpu.memref_slice %arg16[%mul3A_6, %dma_start3A_23] : memref<10240x128xf32, #tpu.memory_space<vmem_shared>> -> memref<640x128xf32, #tpu.memory_space<vmem_shared>>
      %dma_start3A_25 = arith.constant 0 : i32
      %dma_start3A_26 = tpu.memref_slice %arg6[%mul3A_4, %dma_start3A_25] : memref<10240x128xf32, #tpu.memory_space<hbm>> -> memref<640x128xf32, #tpu.memory_space<hbm>>
      tpu.enqueue_dma source(%dma_start3A_26 : memref<640x128xf32, #tpu.memory_space<hbm>>) target(%dma_start3A_24 : memref<640x128xf32, #tpu.memory_space<vmem_shared>>) target_semaphore(%run_scoped3A : memref<!tpu.dma_semaphore, #tpu.memory_space<semaphore_mem>>)
      %dma_wait3A = arith.constant 0 : i32
      %dma_wait3A_27 = tpu.memref_slice %arg16[%mul3A_6, %dma_wait3A] : memref<10240x128xf32, #tpu.memory_space<vmem_shared>> -> memref<640x128xf32, #tpu.memory_space<vmem_shared>>
      %dma_wait3A_28 = arith.constant 0 : i32
      %dma_wait3A_29 = tpu.memref_slice %arg6[%mul3A_4, %dma_wait3A_28] : memref<10240x128xf32, #tpu.memory_space<hbm>> -> memref<640x128xf32, #tpu.memory_space<hbm>>
      tpu.wait_dma2 semaphore(%run_scoped3A : memref<!tpu.dma_semaphore, #tpu.memory_space<semaphore_mem>>) src(%dma_wait3A_29 : memref<640x128xf32, #tpu.memory_space<hbm>>) dst(%dma_wait3A_27 : memref<640x128xf32, #tpu.memory_space<vmem_shared>>)
      tpu.yield
    }) : () -> ()
    %barrier3A = arith.constant 0 : index
    tpu.barrier barrier_id(%barrier3A)
    %add3A_7 = arith.constant 0 : i32
    %add3A_8 = arith.addi %mul3A_2, %add3A_7 : i32
    "tpu.region"() ({
      %run_scoped3A = tpu.sem_alloc : memref<!tpu.dma_semaphore, #tpu.memory_space<semaphore_mem>>
      %dma_start3A_23 = tpu.memref_slice %arg2[%add3A_8] : memref<330240xi32, #tpu.memory_space<hbm>> -> memref<120xi32, #tpu.memory_space<hbm>>
      %dma_start3A_24 = tpu.memref_slice %arg2[%add3A_8] : memref<330240xi32, #tpu.memory_space<hbm>> -> memref<120xi32, #tpu.memory_space<hbm>>
      tpu.enqueue_dma source(%dma_start3A_24 : memref<120xi32, #tpu.memory_space<hbm>>) target(%arg8 : memref<120xi32, #tpu.memory_space<vmem>>) target_semaphore(%run_scoped3A : memref<!tpu.dma_semaphore, #tpu.memory_space<semaphore_mem>>)
      %dma_wait3A = tpu.memref_slice %arg2[%add3A_8] : memref<330240xi32, #tpu.memory_space<hbm>> -> memref<120xi32, #tpu.memory_space<hbm>>
      %dma_wait3A_25 = tpu.memref_slice %arg2[%add3A_8] : memref<330240xi32, #tpu.memory_space<hbm>> -> memref<120xi32, #tpu.memory_space<hbm>>
      tpu.wait_dma2 semaphore(%run_scoped3A : memref<!tpu.dma_semaphore, #tpu.memory_space<semaphore_mem>>) src(%dma_wait3A_25 : memref<120xi32, #tpu.memory_space<hbm>>) dst(%arg8 : memref<120xi32, #tpu.memory_space<vmem>>)
      tpu.yield
    }) : () -> ()
    "tpu.region"() ({
      %run_scoped3A = tpu.sem_alloc : memref<!tpu.dma_semaphore, #tpu.memory_space<semaphore_mem>>
      %dma_start3A_23 = tpu.memref_slice %arg3[%add3A_8] : memref<330240xi32, #tpu.memory_space<hbm>> -> memref<120xi32, #tpu.memory_space<hbm>>
      %dma_start3A_24 = tpu.memref_slice %arg3[%add3A_8] : memref<330240xi32, #tpu.memory_space<hbm>> -> memref<120xi32, #tpu.memory_space<hbm>>
      tpu.enqueue_dma source(%dma_start3A_24 : memref<120xi32, #tpu.memory_space<hbm>>) target(%arg9 : memref<120xi32, #tpu.memory_space<vmem>>) target_semaphore(%run_scoped3A : memref<!tpu.dma_semaphore, #tpu.memory_space<semaphore_mem>>)
      %dma_wait3A = tpu.memref_slice %arg3[%add3A_8] : memref<330240xi32, #tpu.memory_space<hbm>> -> memref<120xi32, #tpu.memory_space<hbm>>
      %dma_wait3A_25 = tpu.memref_slice %arg3[%add3A_8] : memref<330240xi32, #tpu.memory_space<hbm>> -> memref<120xi32, #tpu.memory_space<hbm>>
      tpu.wait_dma2 semaphore(%run_scoped3A : memref<!tpu.dma_semaphore, #tpu.memory_space<semaphore_mem>>) src(%dma_wait3A_25 : memref<120xi32, #tpu.memory_space<hbm>>) dst(%arg9 : memref<120xi32, #tpu.memory_space<vmem>>)
      tpu.yield
    }) : () -> ()
    %mul3A_9 = arith.constant 4 : i32
    %mul3A_10 = arith.muli %add3A_8, %mul3A_9 : i32
    "tpu.region"() ({
      %run_scoped3A = tpu.sem_alloc : memref<!tpu.dma_semaphore, #tpu.memory_space<semaphore_mem>>
      %dma_start3A_23 = tpu.memref_slice %arg5[%mul3A_10] : memref<1320960xf32, #tpu.memory_space<hbm>> -> memref<480xf32, #tpu.memory_space<hbm>>
      %dma_start3A_24 = tpu.memref_slice %arg5[%mul3A_10] : memref<1320960xf32, #tpu.memory_space<hbm>> -> memref<480xf32, #tpu.memory_space<hbm>>
      tpu.enqueue_dma source(%dma_start3A_24 : memref<480xf32, #tpu.memory_space<hbm>>) target(%arg11 : memref<480xf32, #tpu.memory_space<vmem>>) target_semaphore(%run_scoped3A : memref<!tpu.dma_semaphore, #tpu.memory_space<semaphore_mem>>)
      %dma_wait3A = tpu.memref_slice %arg5[%mul3A_10] : memref<1320960xf32, #tpu.memory_space<hbm>> -> memref<480xf32, #tpu.memory_space<hbm>>
      %dma_wait3A_25 = tpu.memref_slice %arg5[%mul3A_10] : memref<1320960xf32, #tpu.memory_space<hbm>> -> memref<480xf32, #tpu.memory_space<hbm>>
      tpu.wait_dma2 semaphore(%run_scoped3A : memref<!tpu.dma_semaphore, #tpu.memory_space<semaphore_mem>>) src(%dma_wait3A_25 : memref<480xf32, #tpu.memory_space<hbm>>) dst(%arg11 : memref<480xf32, #tpu.memory_space<vmem>>)
      tpu.yield
    }) : () -> ()
    %dma_start3A = arith.constant 0 : i32
    %dma_start3A_11 = arith.constant 0 : i32
    %dma_start3A_12 = tpu.memref_slice %arg4[%dma_start3A, %dma_start3A_11] : memref<10240x128xf32, #tpu.memory_space<hbm>> -> memref<10240x128xf32, #tpu.memory_space<hbm>>
    tpu.enqueue_indirect_dma source(%dma_start3A_12 : memref<10240x128xf32, #tpu.memory_space<hbm>>) target(%arg10 : memref<120x128xf32, #tpu.memory_space<vmem>>) offsets(%arg8 : memref<120xi32, #tpu.memory_space<vmem>>) semaphore(%arg17 : memref<!tpu.dma_semaphore, #tpu.memory_space<semaphore_mem>>)
    %scan3A = arith.constant 0 : i32
    %scan3A_13 = arith.constant 0 : i32
    %scan3A_14 = arith.constant 43 : i32
    %scan3A_15 = arith.addi %scan3A_13, %scan3A_14 : i32
    %scan3A_16 = arith.constant 1 : i32
    scf.for %scan3A_23 = %scan3A_13 to %scan3A_15 step %scan3A_16  : i32 {
      %mul3A_24 = arith.constant 2 : i32
      %mul3A_25 = arith.muli %mul3A_24, %scan3A_23 : i32
      %add3A_26 = arith.constant 1 : i32
      %add3A_27 = arith.addi %mul3A_25, %add3A_26 : i32
      %mul3A_28 = arith.constant 120 : i32
      %mul3A_29 = arith.muli %add3A_27, %mul3A_28 : i32
      %add3A_30 = arith.addi %mul3A_2, %mul3A_29 : i32
      "tpu.region"() ({
        %run_scoped3A = tpu.sem_alloc : memref<!tpu.dma_semaphore, #tpu.memory_space<semaphore_mem>>
        %dma_start3A_45 = tpu.memref_slice %arg2[%add3A_30] : memref<330240xi32, #tpu.memory_space<hbm>> -> memref<120xi32, #tpu.memory_space<hbm>>
        %dma_start3A_46 = tpu.memref_slice %arg2[%add3A_30] : memref<330240xi32, #tpu.memory_space<hbm>> -> memref<120xi32, #tpu.memory_space<hbm>>
        tpu.enqueue_dma source(%dma_start3A_46 : memref<120xi32, #tpu.memory_space<hbm>>) target(%arg12 : memref<120xi32, #tpu.memory_space<vmem>>) target_semaphore(%run_scoped3A : memref<!tpu.dma_semaphore, #tpu.memory_space<semaphore_mem>>)
        %dma_wait3A_47 = tpu.memref_slice %arg2[%add3A_30] : memref<330240xi32, #tpu.memory_space<hbm>> -> memref<120xi32, #tpu.memory_space<hbm>>
        %dma_wait3A_48 = tpu.memref_slice %arg2[%add3A_30] : memref<330240xi32, #tpu.memory_space<hbm>> -> memref<120xi32, #tpu.memory_space<hbm>>
        tpu.wait_dma2 semaphore(%run_scoped3A : memref<!tpu.dma_semaphore, #tpu.memory_space<semaphore_mem>>) src(%dma_wait3A_48 : memref<120xi32, #tpu.memory_space<hbm>>) dst(%arg12 : memref<120xi32, #tpu.memory_space<vmem>>)
        tpu.yield
      }) : () -> ()
      "tpu.region"() ({
        %run_scoped3A = tpu.sem_alloc : memref<!tpu.dma_semaphore, #tpu.memory_space<semaphore_mem>>
        %dma_start3A_45 = tpu.memref_slice %arg3[%add3A_30] : memref<330240xi32, #tpu.memory_space<hbm>> -> memref<120xi32, #tpu.memory_space<hbm>>
        %dma_start3A_46 = tpu.memref_slice %arg3[%add3A_30] : memref<330240xi32, #tpu.memory_space<hbm>> -> memref<120xi32, #tpu.memory_space<hbm>>
        tpu.enqueue_dma source(%dma_start3A_46 : memref<120xi32, #tpu.memory_space<hbm>>) target(%arg13 : memref<120xi32, #tpu.memory_space<vmem>>) target_semaphore(%run_scoped3A : memref<!tpu.dma_semaphore, #tpu.memory_space<semaphore_mem>>)
        %dma_wait3A_47 = tpu.memref_slice %arg3[%add3A_30] : memref<330240xi32, #tpu.memory_space<hbm>> -> memref<120xi32, #tpu.memory_space<hbm>>
        %dma_wait3A_48 = tpu.memref_slice %arg3[%add3A_30] : memref<330240xi32, #tpu.memory_space<hbm>> -> memref<120xi32, #tpu.memory_space<hbm>>
        tpu.wait_dma2 semaphore(%run_scoped3A : memref<!tpu.dma_semaphore, #tpu.memory_space<semaphore_mem>>) src(%dma_wait3A_48 : memref<120xi32, #tpu.memory_space<hbm>>) dst(%arg13 : memref<120xi32, #tpu.memory_space<vmem>>)
        tpu.yield
      }) : () -> ()
      %mul3A_31 = arith.constant 4 : i32
      %mul3A_32 = arith.muli %add3A_30, %mul3A_31 : i32
      "tpu.region"() ({
        %run_scoped3A = tpu.sem_alloc : memref<!tpu.dma_semaphore, #tpu.memory_space<semaphore_mem>>
        %dma_start3A_45 = tpu.memref_slice %arg5[%mul3A_32] : memref<1320960xf32, #tpu.memory_space<hbm>> -> memref<480xf32, #tpu.memory_space<hbm>>
        %dma_start3A_46 = tpu.memref_slice %arg5[%mul3A_32] : memref<1320960xf32, #tpu.memory_space<hbm>> -> memref<480xf32, #tpu.memory_space<hbm>>
        tpu.enqueue_dma source(%dma_start3A_46 : memref<480xf32, #tpu.memory_space<hbm>>) target(%arg15 : memref<480xf32, #tpu.memory_space<vmem>>) target_semaphore(%run_scoped3A : memref<!tpu.dma_semaphore, #tpu.memory_space<semaphore_mem>>)
        %dma_wait3A_47 = tpu.memref_slice %arg5[%mul3A_32] : memref<1320960xf32, #tpu.memory_space<hbm>> -> memref<480xf32, #tpu.memory_space<hbm>>
        %dma_wait3A_48 = tpu.memref_slice %arg5[%mul3A_32] : memref<1320960xf32, #tpu.memory_space<hbm>> -> memref<480xf32, #tpu.memory_space<hbm>>
        tpu.wait_dma2 semaphore(%run_scoped3A : memref<!tpu.dma_semaphore, #tpu.memory_space<semaphore_mem>>) src(%dma_wait3A_48 : memref<480xf32, #tpu.memory_space<hbm>>) dst(%arg15 : memref<480xf32, #tpu.memory_space<vmem>>)
        tpu.yield
      }) : () -> ()
      %dma_start3A_33 = arith.constant 0 : i32
      %dma_start3A_34 = arith.constant 0 : i32
      %dma_start3A_35 = tpu.memref_slice %arg4[%dma_start3A_33, %dma_start3A_34] : memref<10240x128xf32, #tpu.memory_space<hbm>> -> memref<10240x128xf32, #tpu.memory_space<hbm>>
      tpu.enqueue_indirect_dma source(%dma_start3A_35 : memref<10240x128xf32, #tpu.memory_space<hbm>>) target(%arg14 : memref<120x128xf32, #tpu.memory_space<vmem>>) offsets(%arg12 : memref<120xi32, #tpu.memory_space<vmem>>) semaphore(%arg18 : memref<!tpu.dma_semaphore, #tpu.memory_space<semaphore_mem>>)
      %dma_wait3A = arith.constant 0 : i32
      %dma_wait3A_36 = arith.constant 0 : i32
      %dma_wait3A_37 = tpu.memref_slice %arg4[%dma_wait3A, %dma_wait3A_36] : memref<10240x128xf32, #tpu.memory_space<hbm>> -> memref<10240x128xf32, #tpu.memory_space<hbm>>
      tpu.wait_indirect_dma semaphore(%arg17 : memref<!tpu.dma_semaphore, #tpu.memory_space<semaphore_mem>>) src(%dma_wait3A_37 : memref<10240x128xf32, #tpu.memory_space<hbm>>) dst(%arg10 : memref<120x128xf32, #tpu.memory_space<vmem>>)
      "tpu.region"() ({
        %run_scoped3A = tpu.sem_alloc : memref<!tpu.dma_semaphore, #tpu.memory_space<semaphore_mem>>
        %dma_start3A_45 = arith.constant 0 : i32
        %dma_start3A_46 = arith.constant 0 : i32
        %dma_start3A_47 = tpu.memref_slice %arg16[%dma_start3A_45, %dma_start3A_46] : memref<10240x128xf32, #tpu.memory_space<vmem_shared>> -> memref<10240x128xf32, #tpu.memory_space<vmem_shared>>
        tpu.enqueue_indirect_dma source(%arg10 : memref<120x128xf32, #tpu.memory_space<vmem>>) target(%dma_start3A_47 : memref<10240x128xf32, #tpu.memory_space<vmem_shared>>) offsets(%arg9 : memref<120xi32, #tpu.memory_space<vmem>>) semaphore(%run_scoped3A : memref<!tpu.dma_semaphore, #tpu.memory_space<semaphore_mem>>) {add = true}
        %dma_wait3A_48 = arith.constant 0 : i32
        %dma_wait3A_49 = arith.constant 0 : i32
        %dma_wait3A_50 = tpu.memref_slice %arg16[%dma_wait3A_48, %dma_wait3A_49] : memref<10240x128xf32, #tpu.memory_space<vmem_shared>> -> memref<10240x128xf32, #tpu.memory_space<vmem_shared>>
        tpu.wait_indirect_dma semaphore(%run_scoped3A : memref<!tpu.dma_semaphore, #tpu.memory_space<semaphore_mem>>) src(%arg10 : memref<120x128xf32, #tpu.memory_space<vmem>>) dst(%dma_wait3A_50 : memref<10240x128xf32, #tpu.memory_space<vmem_shared>>)
        tpu.yield
      }) : () -> ()
      %add3A_38 = arith.constant 2 : i32
      %add3A_39 = arith.addi %mul3A_25, %add3A_38 : i32
      %lt3A = arith.constant 86 : i32
      %lt3A_40 = arith.cmpi slt, %add3A_39, %lt3A : i32
      %convert_element_type3A = arith.extui %lt3A_40 : i1 to i32
      %cond3A = arith.constant 0 : i32
      %cond3A_41 = arith.cmpi ne, %convert_element_type3A, %cond3A : i32
      scf.if %cond3A_41 {
        %add3A_45 = arith.constant 2 : i32
        %add3A_46 = arith.addi %mul3A_25, %add3A_45 : i32
        %mul3A_47 = arith.constant 120 : i32
        %mul3A_48 = arith.muli %add3A_46, %mul3A_47 : i32
        %add3A_49 = arith.addi %mul3A_2, %mul3A_48 : i32
        "tpu.region"() ({
          %run_scoped3A = tpu.sem_alloc : memref<!tpu.dma_semaphore, #tpu.memory_space<semaphore_mem>>
          %dma_start3A_55 = tpu.memref_slice %arg2[%add3A_49] : memref<330240xi32, #tpu.memory_space<hbm>> -> memref<120xi32, #tpu.memory_space<hbm>>
          %dma_start3A_56 = tpu.memref_slice %arg2[%add3A_49] : memref<330240xi32, #tpu.memory_space<hbm>> -> memref<120xi32, #tpu.memory_space<hbm>>
          tpu.enqueue_dma source(%dma_start3A_56 : memref<120xi32, #tpu.memory_space<hbm>>) target(%arg8 : memref<120xi32, #tpu.memory_space<vmem>>) target_semaphore(%run_scoped3A : memref<!tpu.dma_semaphore, #tpu.memory_space<semaphore_mem>>)
          %dma_wait3A_57 = tpu.memref_slice %arg2[%add3A_49] : memref<330240xi32, #tpu.memory_space<hbm>> -> memref<120xi32, #tpu.memory_space<hbm>>
          %dma_wait3A_58 = tpu.memref_slice %arg2[%add3A_49] : memref<330240xi32, #tpu.memory_space<hbm>> -> memref<120xi32, #tpu.memory_space<hbm>>
          tpu.wait_dma2 semaphore(%run_scoped3A : memref<!tpu.dma_semaphore, #tpu.memory_space<semaphore_mem>>) src(%dma_wait3A_58 : memref<120xi32, #tpu.memory_space<hbm>>) dst(%arg8 : memref<120xi32, #tpu.memory_space<vmem>>)
          tpu.yield
        }) : () -> ()
        "tpu.region"() ({
          %run_scoped3A = tpu.sem_alloc : memref<!tpu.dma_semaphore, #tpu.memory_space<semaphore_mem>>
          %dma_start3A_55 = tpu.memref_slice %arg3[%add3A_49] : memref<330240xi32, #tpu.memory_space<hbm>> -> memref<120xi32, #tpu.memory_space<hbm>>
          %dma_start3A_56 = tpu.memref_slice %arg3[%add3A_49] : memref<330240xi32, #tpu.memory_space<hbm>> -> memref<120xi32, #tpu.memory_space<hbm>>
          tpu.enqueue_dma source(%dma_start3A_56 : memref<120xi32, #tpu.memory_space<hbm>>) target(%arg9 : memref<120xi32, #tpu.memory_space<vmem>>) target_semaphore(%run_scoped3A : memref<!tpu.dma_semaphore, #tpu.memory_space<semaphore_mem>>)
          %dma_wait3A_57 = tpu.memref_slice %arg3[%add3A_49] : memref<330240xi32, #tpu.memory_space<hbm>> -> memref<120xi32, #tpu.memory_space<hbm>>
          %dma_wait3A_58 = tpu.memref_slice %arg3[%add3A_49] : memref<330240xi32, #tpu.memory_space<hbm>> -> memref<120xi32, #tpu.memory_space<hbm>>
          tpu.wait_dma2 semaphore(%run_scoped3A : memref<!tpu.dma_semaphore, #tpu.memory_space<semaphore_mem>>) src(%dma_wait3A_58 : memref<120xi32, #tpu.memory_space<hbm>>) dst(%arg9 : memref<120xi32, #tpu.memory_space<vmem>>)
          tpu.yield
        }) : () -> ()
        %mul3A_50 = arith.constant 4 : i32
        %mul3A_51 = arith.muli %add3A_49, %mul3A_50 : i32
        "tpu.region"() ({
          %run_scoped3A = tpu.sem_alloc : memref<!tpu.dma_semaphore, #tpu.memory_space<semaphore_mem>>
          %dma_start3A_55 = tpu.memref_slice %arg5[%mul3A_51] : memref<1320960xf32, #tpu.memory_space<hbm>> -> memref<480xf32, #tpu.memory_space<hbm>>
          %dma_start3A_56 = tpu.memref_slice %arg5[%mul3A_51] : memref<1320960xf32, #tpu.memory_space<hbm>> -> memref<480xf32, #tpu.memory_space<hbm>>
          tpu.enqueue_dma source(%dma_start3A_56 : memref<480xf32, #tpu.memory_space<hbm>>) target(%arg11 : memref<480xf32, #tpu.memory_space<vmem>>) target_semaphore(%run_scoped3A : memref<!tpu.dma_semaphore, #tpu.memory_space<semaphore_mem>>)
          %dma_wait3A_57 = tpu.memref_slice %arg5[%mul3A_51] : memref<1320960xf32, #tpu.memory_space<hbm>> -> memref<480xf32, #tpu.memory_space<hbm>>
          %dma_wait3A_58 = tpu.memref_slice %arg5[%mul3A_51] : memref<1320960xf32, #tpu.memory_space<hbm>> -> memref<480xf32, #tpu.memory_space<hbm>>
          tpu.wait_dma2 semaphore(%run_scoped3A : memref<!tpu.dma_semaphore, #tpu.memory_space<semaphore_mem>>) src(%dma_wait3A_58 : memref<480xf32, #tpu.memory_space<hbm>>) dst(%arg11 : memref<480xf32, #tpu.memory_space<vmem>>)
          tpu.yield
        }) : () -> ()
        %dma_start3A_52 = arith.constant 0 : i32
        %dma_start3A_53 = arith.constant 0 : i32
        %dma_start3A_54 = tpu.memref_slice %arg4[%dma_start3A_52, %dma_start3A_53] : memref<10240x128xf32, #tpu.memory_space<hbm>> -> memref<10240x128xf32, #tpu.memory_space<hbm>>
        tpu.enqueue_indirect_dma source(%dma_start3A_54 : memref<10240x128xf32, #tpu.memory_space<hbm>>) target(%arg10 : memref<120x128xf32, #tpu.memory_space<vmem>>) offsets(%arg8 : memref<120xi32, #tpu.memory_space<vmem>>) semaphore(%arg17 : memref<!tpu.dma_semaphore, #tpu.memory_space<semaphore_mem>>)
      } else {
      }
      %dma_wait3A_42 = arith.constant 0 : i32
      %dma_wait3A_43 = arith.constant 0 : i32
      %dma_wait3A_44 = tpu.memref_slice %arg4[%dma_wait3A_42, %dma_wait3A_43] : memref<10240x128xf32, #tpu.memory_space<hbm>> -> memref<10240x128xf32, #tpu.memory_space<hbm>>
      tpu.wait_indirect_dma semaphore(%arg18 : memref<!tpu.dma_semaphore, #tpu.memory_space<semaphore_mem>>) src(%dma_wait3A_44 : memref<10240x128xf32, #tpu.memory_space<hbm>>) dst(%arg14 : memref<120x128xf32, #tpu.memory_space<vmem>>)
      "tpu.region"() ({
        %run_scoped3A = tpu.sem_alloc : memref<!tpu.dma_semaphore, #tpu.memory_space<semaphore_mem>>
        %dma_start3A_45 = arith.constant 0 : i32
        %dma_start3A_46 = arith.constant 0 : i32
        %dma_start3A_47 = tpu.memref_slice %arg16[%dma_start3A_45, %dma_start3A_46] : memref<10240x128xf32, #tpu.memory_space<vmem_shared>> -> memref<10240x128xf32, #tpu.memory_space<vmem_shared>>
        tpu.enqueue_indirect_dma source(%arg14 : memref<120x128xf32, #tpu.memory_space<vmem>>) target(%dma_start3A_47 : memref<10240x128xf32, #tpu.memory_space<vmem_shared>>) offsets(%arg13 : memref<120xi32, #tpu.memory_space<vmem>>) semaphore(%run_scoped3A : memref<!tpu.dma_semaphore, #tpu.memory_space<semaphore_mem>>) {add = true}
        %dma_wait3A_48 = arith.constant 0 : i32
        %dma_wait3A_49 = arith.constant 0 : i32
        %dma_wait3A_50 = tpu.memref_slice %arg16[%dma_wait3A_48, %dma_wait3A_49] : memref<10240x128xf32, #tpu.memory_space<vmem_shared>> -> memref<10240x128xf32, #tpu.memory_space<vmem_shared>>
        tpu.wait_indirect_dma semaphore(%run_scoped3A : memref<!tpu.dma_semaphore, #tpu.memory_space<semaphore_mem>>) src(%arg14 : memref<120x128xf32, #tpu.memory_space<vmem>>) dst(%dma_wait3A_50 : memref<10240x128xf32, #tpu.memory_space<vmem_shared>>)
        tpu.yield
      }) : () -> ()
    }
    %scan3A_17 = arith.constant 43 : i32
    %barrier3A_18 = arith.constant 0 : index
    tpu.barrier barrier_id(%barrier3A_18)
    %mul3A_19 = arith.constant 640 : i32
    %mul3A_20 = arith.muli %arg1, %mul3A_19 : i32
    %mul3A_21 = arith.constant 640 : i32
    %mul3A_22 = arith.muli %arg1, %mul3A_21 : i32
    "tpu.region"() ({
      %run_scoped3A = tpu.sem_alloc : memref<!tpu.dma_semaphore, #tpu.memory_space<semaphore_mem>>
      %dma_start3A_23 = arith.constant 0 : i32
      %dma_start3A_24 = tpu.memref_slice %arg7[%arg0, %mul3A_22, %dma_start3A_23] : memref<2x10240x128xf32, #tpu.memory_space<hbm>> -> memref<1x640x128xf32, #tpu.memory_space<hbm>>
      %dma_start3A_25 = tpu.memref_squeeze %dma_start3A_24 : memref<1x640x128xf32, #tpu.memory_space<hbm>> -> memref<640x128xf32, #tpu.memory_space<hbm>>
      %dma_start3A_26 = arith.constant 0 : i32
      %dma_start3A_27 = tpu.memref_slice %arg16[%mul3A_20, %dma_start3A_26] : memref<10240x128xf32, #tpu.memory_space<vmem_shared>> -> memref<640x128xf32, #tpu.memory_space<vmem_shared>>
      tpu.enqueue_dma source(%dma_start3A_27 : memref<640x128xf32, #tpu.memory_space<vmem_shared>>) target(%dma_start3A_25 : memref<640x128xf32, #tpu.memory_space<hbm>>) target_semaphore(%run_scoped3A : memref<!tpu.dma_semaphore, #tpu.memory_space<semaphore_mem>>)
      %dma_wait3A = arith.constant 0 : i32
      %dma_wait3A_28 = tpu.memref_slice %arg7[%arg0, %mul3A_22, %dma_wait3A] : memref<2x10240x128xf32, #tpu.memory_space<hbm>> -> memref<1x640x128xf32, #tpu.memory_space<hbm>>
      %dma_wait3A_29 = tpu.memref_squeeze %dma_wait3A_28 : memref<1x640x128xf32, #tpu.memory_space<hbm>> -> memref<640x128xf32, #tpu.memory_space<hbm>>
      %dma_wait3A_30 = arith.constant 0 : i32
      %dma_wait3A_31 = tpu.memref_slice %arg16[%mul3A_20, %dma_wait3A_30] : memref<10240x128xf32, #tpu.memory_space<vmem_shared>> -> memref<640x128xf32, #tpu.memory_space<vmem_shared>>
      tpu.wait_dma2 semaphore(%run_scoped3A : memref<!tpu.dma_semaphore, #tpu.memory_space<semaphore_mem>>) src(%dma_wait3A_31 : memref<640x128xf32, #tpu.memory_space<vmem_shared>>) dst(%dma_wait3A_29 : memref<640x128xf32, #tpu.memory_space<hbm>>)
      tpu.yield
    }) : () -> ()
    return
  }
}

module attributes {stable_mosaic.version = 14 : i64} {
  func.func @_pre_body(%arg0: memref<10240x128xf32, #tpu.memory_space<vmem>>, %arg1: memref<128x128xf32, #tpu.memory_space<vmem>>, %arg2: memref<128x4xf32, #tpu.memory_space<vmem>>, %arg3: memref<128x4xf32, #tpu.memory_space<vmem>>, %arg4: memref<10240x128xf32, #tpu.memory_space<vmem>>, %arg5: memref<10240x4xf32, #tpu.memory_space<vmem>>, %arg6: memref<10240x4xf32, #tpu.memory_space<vmem>>, %arg7: memref<1x4xf32, #tpu.memory_space<vmem>>) attributes {dimension_semantics = [], scalar_prefetch = 0 : i64, scratch_operands = 0 : i64, tpu.core_type = #tpu.core_type<tc>} {
    %get3A = arith.constant 0 : index
    %get3A_0 = arith.constant 0 : index
    %get3A_1 = vector.load %arg0[%get3A, %get3A_0] : memref<10240x128xf32, #tpu.memory_space<vmem>>, vector<10240x128xf32>
    %get3A_2 = arith.constant 0 : index
    %get3A_3 = arith.constant 0 : index
    %get3A_4 = vector.load %arg1[%get3A_2, %get3A_3] : memref<128x128xf32, #tpu.memory_space<vmem>>, vector<128x128xf32>
    %dot_general3A = arith.constant dense<0.000000e+00> : vector<10240x128xf32>
    %dot_general3A_5 = tpu.matmul %get3A_1, %get3A_4, %dot_general3A {dimension_numbers = #tpu.dot_dimension_numbers<[1], [0], [0], [1], [0, 0, 1, 1], [], []>, transpose_lhs_hint = false} : vector<10240x128xf32>, vector<128x128xf32>, vector<10240x128xf32> -> vector<10240x128xf32>
    %swap3A = arith.constant 0 : index
    %swap3A_6 = arith.constant 0 : index
    %swap3A_7 = vector.load %arg4[%swap3A, %swap3A_6] : memref<10240x128xf32, #tpu.memory_space<vmem>>, vector<10240x128xf32>
    tpu.vector_store %arg4[%swap3A, %swap3A_6], %dot_general3A_5 {strides = array<i32>} : memref<10240x128xf32, #tpu.memory_space<vmem>>, vector<10240x128xf32>,
    %get3A_8 = arith.constant 0 : index
    %get3A_9 = arith.constant 0 : index
    %get3A_10 = vector.load %arg2[%get3A_8, %get3A_9] : memref<128x4xf32, #tpu.memory_space<vmem>>, vector<128x4xf32>
    %dot_general3A_11 = arith.constant dense<0.000000e+00> : vector<10240x4xf32>
    %dot_general3A_12 = tpu.matmul %dot_general3A_5, %get3A_10, %dot_general3A_11 {dimension_numbers = #tpu.dot_dimension_numbers<[1], [0], [0], [1], [0, 0, 1, 1], [], []>, transpose_lhs_hint = false} : vector<10240x128xf32>, vector<128x4xf32>, vector<10240x4xf32> -> vector<10240x4xf32>
    %get3A_13 = arith.constant 0 : index
    %get3A_14 = arith.constant 0 : index
    %get3A_15 = vector.load %arg3[%get3A_13, %get3A_14] : memref<128x4xf32, #tpu.memory_space<vmem>>, vector<128x4xf32>
    %dot_general3A_16 = arith.constant dense<0.000000e+00> : vector<10240x4xf32>
    %dot_general3A_17 = tpu.matmul %dot_general3A_5, %get3A_15, %dot_general3A_16 {dimension_numbers = #tpu.dot_dimension_numbers<[1], [0], [0], [1], [0, 0, 1, 1], [], []>, transpose_lhs_hint = false} : vector<10240x128xf32>, vector<128x4xf32>, vector<10240x4xf32> -> vector<10240x4xf32>
    %swap3A_18 = arith.constant 0 : index
    %swap3A_19 = arith.constant 0 : index
    %swap3A_20 = vector.load %arg5[%swap3A_18, %swap3A_19] : memref<10240x4xf32, #tpu.memory_space<vmem>>, vector<10240x4xf32>
    tpu.vector_store %arg5[%swap3A_18, %swap3A_19], %dot_general3A_12 {strides = array<i32>} : memref<10240x4xf32, #tpu.memory_space<vmem>>, vector<10240x4xf32>,
    %swap3A_21 = arith.constant 0 : index
    %swap3A_22 = arith.constant 0 : index
    %swap3A_23 = vector.load %arg6[%swap3A_21, %swap3A_22] : memref<10240x4xf32, #tpu.memory_space<vmem>>, vector<10240x4xf32>
    tpu.vector_store %arg6[%swap3A_21, %swap3A_22], %dot_general3A_17 {strides = array<i32>} : memref<10240x4xf32, #tpu.memory_space<vmem>>, vector<10240x4xf32>,
    %reduce_max3A = arith.constant dense<0xFF800000> : vector<4xf32>
    %reduce_max3A_24 = vector.multi_reduction <maximumf>, %dot_general3A_12, %reduce_max3A [0] : vector<10240x4xf32> to vector<4xf32>
    %broadcast_in_dim3A = vector.shape_cast %reduce_max3A_24 : vector<4xf32> to vector<1x4xf32>
    %reduce_max3A_25 = arith.constant dense<0xFF800000> : vector<4xf32>
    %reduce_max3A_26 = vector.multi_reduction <maximumf>, %dot_general3A_17, %reduce_max3A_25 [0] : vector<10240x4xf32> to vector<4xf32>
    %broadcast_in_dim3A_27 = vector.shape_cast %reduce_max3A_26 : vector<4xf32> to vector<1x4xf32>
    %add3A = arith.addf %broadcast_in_dim3A, %broadcast_in_dim3A_27 : vector<1x4xf32>
    %ge3A = arith.constant 0.000000e+00 : f32
    %ge3A_28 = vector.broadcast %ge3A : f32 to vector<1x4xf32>
    %ge3A_29 = arith.cmpf oge, %add3A, %ge3A_28 : vector<1x4xf32>
    %mul3A = arith.constant 2.000000e-01 : f32
    %mul3A_30 = vector.broadcast %mul3A : f32 to vector<1x4xf32>
    %mul3A_31 = arith.mulf %mul3A_30, %add3A : vector<1x4xf32>
    %select_n3A = arith.select %ge3A_29, %add3A, %mul3A_31 : vector<1x4xi1>, vector<1x4xf32>
    %swap3A_32 = arith.constant 0 : index
    %swap3A_33 = arith.constant 0 : index
    %swap3A_34 = vector.load %arg7[%swap3A_32, %swap3A_33] : memref<1x4xf32, #tpu.memory_space<vmem>>, vector<1x4xf32>
    tpu.vector_store %arg7[%swap3A_32, %swap3A_33], %select_n3A {strides = array<i32>} : memref<1x4xf32, #tpu.memory_space<vmem>>, vector<1x4xf32>,
    return
  }
}

module attributes {stable_mosaic.version = 14 : i64} {
  func.func @_post_body(%arg0: i32, %arg1: memref<1024x128xf32, #tpu.memory_space<vmem>>, %arg2: memref<2x1024x128xf32, #tpu.memory_space<vmem>>, %arg3: memref<2x1024x4xf32, #tpu.memory_space<vmem>>, %arg4: memref<4x128xf32, #tpu.memory_space<vmem>>, %arg5: memref<1x128xf32, #tpu.memory_space<vmem>>, %arg6: memref<1x128xf32, #tpu.memory_space<vmem>>, %arg7: memref<1x128xf32, #tpu.memory_space<vmem>>, %arg8: memref<128x512xf32, #tpu.memory_space<vmem>>, %arg9: memref<1x512xf32, #tpu.memory_space<vmem>>, %arg10: memref<512x128xf32, #tpu.memory_space<vmem>>, %arg11: memref<1x128xf32, #tpu.memory_space<vmem>>, %arg12: memref<1024x128xf32, #tpu.memory_space<vmem>>) attributes {dimension_semantics = [#tpu.dimension_semantics<arbitrary>], iteration_bounds = array<i64: 10>, scalar_prefetch = 0 : i64, scratch_operands = 0 : i64, tpu.core_type = #tpu.core_type<tc>, window_params = [{transform_indices = @transform_0, window_bounds = array<i64: 1024, 128>}, {transform_indices = @transform_1, window_bounds = array<i64: 2, 1024, 128>}, {transform_indices = @transform_2, window_bounds = array<i64: 2, 1024, 4>}, {pipeline_mode = #tpu.pipeline_mode<synchronous>, transform_indices = @transform_3, window_bounds = array<i64: 4, 128>}, {pipeline_mode = #tpu.pipeline_mode<synchronous>, transform_indices = @transform_4, window_bounds = array<i64: 1, 128>}, {pipeline_mode = #tpu.pipeline_mode<synchronous>, transform_indices = @transform_5, window_bounds = array<i64: 1, 128>}, {pipeline_mode = #tpu.pipeline_mode<synchronous>, transform_indices = @transform_6, window_bounds = array<i64: 1, 128>}, {pipeline_mode = #tpu.pipeline_mode<synchronous>, transform_indices = @transform_7, window_bounds = array<i64: 128, 512>}, {pipeline_mode = #tpu.pipeline_mode<synchronous>, transform_indices = @transform_8, window_bounds = array<i64: 1, 512>}, {pipeline_mode = #tpu.pipeline_mode<synchronous>, transform_indices = @transform_9, window_bounds = array<i64: 512, 128>}, {pipeline_mode = #tpu.pipeline_mode<synchronous>, transform_indices = @transform_10, window_bounds = array<i64: 1, 128>}, {transform_indices = @transform_11, window_bounds = array<i64: 1024, 128>}]} {
    %get3A = arith.constant 0 : index
    %get3A_0 = arith.constant 0 : index
    %get3A_1 = vector.load %arg1[%get3A, %get3A_0] : memref<1024x128xf32, #tpu.memory_space<vmem>>, vector<1024x128xf32>
    %get3A_2 = arith.constant 0 : index
    %get3A_3 = arith.constant 0 : index
    %get3A_4 = arith.constant 0 : index
    %get3A_5 = vector.load %arg3[%get3A_2, %get3A_3, %get3A_4] : memref<2x1024x4xf32, #tpu.memory_space<vmem>>, vector<1x1024x4xf32>
    %get3A_6 = vector.shape_cast %get3A_5 : vector<1x1024x4xf32> to vector<1024x4xf32>
    %get3A_7 = arith.constant 1 : index
    %get3A_8 = arith.constant 0 : index
    %get3A_9 = arith.constant 0 : index
    %get3A_10 = vector.load %arg3[%get3A_7, %get3A_8, %get3A_9] : memref<2x1024x4xf32, #tpu.memory_space<vmem>>, vector<1x1024x4xf32>
    %get3A_11 = vector.shape_cast %get3A_10 : vector<1x1024x4xf32> to vector<1024x4xf32>
    %add3A = arith.addf %get3A_6, %get3A_11 : vector<1024x4xf32>
    %add3A_12 = arith.constant 1.000000e-16 : f32
    %add3A_13 = vector.broadcast %add3A_12 : f32 to vector<1024x4xf32>
    %add3A_14 = arith.addf %add3A, %add3A_13 : vector<1024x4xf32>
    %div3A = arith.constant 1.000000e+00 : f32
    %div3A_15 = vector.broadcast %div3A : f32 to vector<1024x4xf32>
    %div3A_16 = arith.divf %div3A_15, %add3A_14 : vector<1024x4xf32>
    %get3A_17 = arith.constant 0 : index
    %get3A_18 = arith.constant 0 : index
    %get3A_19 = vector.load %arg4[%get3A_17, %get3A_18] : memref<4x128xf32, #tpu.memory_space<vmem>>, vector<4x128xf32>
    %dot_general3A = arith.constant dense<0.000000e+00> : vector<1024x128xf32>
    %dot_general3A_20 = tpu.matmul %div3A_16, %get3A_19, %dot_general3A {dimension_numbers = #tpu.dot_dimension_numbers<[1], [0], [0], [1], [0, 0, 1, 1], [], []>, transpose_lhs_hint = false} : vector<1024x4xf32>, vector<4x128xf32>, vector<1024x128xf32> -> vector<1024x128xf32>
    %get3A_21 = arith.constant 0 : index
    %get3A_22 = arith.constant 0 : index
    %get3A_23 = arith.constant 0 : index
    %get3A_24 = vector.load %arg2[%get3A_21, %get3A_22, %get3A_23] : memref<2x1024x128xf32, #tpu.memory_space<vmem>>, vector<1x1024x128xf32>
    %get3A_25 = vector.shape_cast %get3A_24 : vector<1x1024x128xf32> to vector<1024x128xf32>
    %get3A_26 = arith.constant 1 : index
    %get3A_27 = arith.constant 0 : index
    %get3A_28 = arith.constant 0 : index
    %get3A_29 = vector.load %arg2[%get3A_26, %get3A_27, %get3A_28] : memref<2x1024x128xf32, #tpu.memory_space<vmem>>, vector<1x1024x128xf32>
    %get3A_30 = vector.shape_cast %get3A_29 : vector<1x1024x128xf32> to vector<1024x128xf32>
    %add3A_31 = arith.addf %get3A_25, %get3A_30 : vector<1024x128xf32>
    %mul3A = arith.mulf %add3A_31, %dot_general3A_20 : vector<1024x128xf32>
    %get3A_32 = arith.constant 0 : index
    %get3A_33 = arith.constant 0 : index
    %get3A_34 = vector.load %arg5[%get3A_32, %get3A_33] : memref<1x128xf32, #tpu.memory_space<vmem>>, vector<1x128xf32>
    %add3A_35 = vector.broadcast %get3A_34 : vector<1x128xf32> to vector<1024x128xf32>
    %add3A_36 = arith.addf %mul3A, %add3A_35 : vector<1024x128xf32>
    %add3A_37 = arith.addf %get3A_1, %add3A_36 : vector<1024x128xf32>
    %get3A_38 = arith.constant 0 : index
    %get3A_39 = arith.constant 0 : index
    %get3A_40 = vector.load %arg6[%get3A_38, %get3A_39] : memref<1x128xf32, #tpu.memory_space<vmem>>, vector<1x128xf32>
    %get3A_41 = arith.constant 0 : index
    %get3A_42 = arith.constant 0 : index
    %get3A_43 = vector.load %arg7[%get3A_41, %get3A_42] : memref<1x128xf32, #tpu.memory_space<vmem>>, vector<1x128xf32>
    %reduce_sum3A = arith.constant dense<0.000000e+00> : vector<1024xf32>
    %reduce_sum3A_44 = vector.multi_reduction <add>, %add3A_37, %reduce_sum3A [1] : vector<1024x128xf32> to vector<1024xf32>
    %broadcast_in_dim3A = vector.shape_cast %reduce_sum3A_44 : vector<1024xf32> to vector<1024x1xf32>
    %div3A_45 = arith.constant 1.280000e+02 : f32
    %div3A_46 = vector.broadcast %div3A_45 : f32 to vector<1024x1xf32>
    %div3A_47 = arith.divf %broadcast_in_dim3A, %div3A_46 : vector<1024x1xf32>
    %sub3A = vector.broadcast %div3A_47 : vector<1024x1xf32> to vector<1024x128xf32>
    %sub3A_48 = arith.subf %add3A_37, %sub3A : vector<1024x128xf32>
    %integer_pow3A = arith.mulf %sub3A_48, %sub3A_48 : vector<1024x128xf32>
    %reduce_sum3A_49 = arith.constant dense<0.000000e+00> : vector<1024xf32>
    %reduce_sum3A_50 = vector.multi_reduction <add>, %integer_pow3A, %reduce_sum3A_49 [1] : vector<1024x128xf32> to vector<1024xf32>
    %broadcast_in_dim3A_51 = vector.shape_cast %reduce_sum3A_50 : vector<1024xf32> to vector<1024x1xf32>
    %div3A_52 = arith.constant 1.280000e+02 : f32
    %div3A_53 = vector.broadcast %div3A_52 : f32 to vector<1024x1xf32>
    %div3A_54 = arith.divf %broadcast_in_dim3A_51, %div3A_53 : vector<1024x1xf32>
    %sub3A_55 = vector.broadcast %div3A_47 : vector<1024x1xf32> to vector<1024x128xf32>
    %sub3A_56 = arith.subf %add3A_37, %sub3A_55 : vector<1024x128xf32>
    %add3A_57 = arith.constant 9.99999974E-6 : f32
    %add3A_58 = vector.broadcast %add3A_57 : f32 to vector<1024x1xf32>
    %add3A_59 = arith.addf %div3A_54, %add3A_58 : vector<1024x1xf32>
    %rsqrt3A = math.rsqrt %add3A_59 : vector<1024x1xf32>
    %mul3A_60 = vector.broadcast %rsqrt3A : vector<1024x1xf32> to vector<1024x128xf32>
    %mul3A_61 = arith.mulf %sub3A_56, %mul3A_60 : vector<1024x128xf32>
    %mul3A_62 = vector.broadcast %get3A_40 : vector<1x128xf32> to vector<1024x128xf32>
    %mul3A_63 = arith.mulf %mul3A_61, %mul3A_62 : vector<1024x128xf32>
    %add3A_64 = vector.broadcast %get3A_43 : vector<1x128xf32> to vector<1024x128xf32>
    %add3A_65 = arith.addf %mul3A_63, %add3A_64 : vector<1024x128xf32>
    %get3A_66 = arith.constant 0 : index
    %get3A_67 = arith.constant 0 : index
    %get3A_68 = vector.load %arg8[%get3A_66, %get3A_67] : memref<128x512xf32, #tpu.memory_space<vmem>>, vector<128x512xf32>
    %dot_general3A_69 = arith.constant dense<0.000000e+00> : vector<1024x512xf32>
    %dot_general3A_70 = tpu.matmul %add3A_65, %get3A_68, %dot_general3A_69 {dimension_numbers = #tpu.dot_dimension_numbers<[1], [0], [0], [1], [0, 0, 1, 1], [], []>, transpose_lhs_hint = false} : vector<1024x128xf32>, vector<128x512xf32>, vector<1024x512xf32> -> vector<1024x512xf32>
    %get3A_71 = arith.constant 0 : index
    %get3A_72 = arith.constant 0 : index
    %get3A_73 = vector.load %arg9[%get3A_71, %get3A_72] : memref<1x512xf32, #tpu.memory_space<vmem>>, vector<1x512xf32>
    %add3A_74 = vector.broadcast %get3A_73 : vector<1x512xf32> to vector<1024x512xf32>
    %add3A_75 = arith.addf %dot_general3A_70, %add3A_74 : vector<1024x512xf32>
    %mul3A_76 = arith.constant 5.000000e-01 : f32
    %mul3A_77 = vector.broadcast %mul3A_76 : f32 to vector<1024x512xf32>
    %mul3A_78 = arith.mulf %mul3A_77, %add3A_75 : vector<1024x512xf32>
    %mul3A_79 = arith.constant 0.707106769 : f32
    %mul3A_80 = vector.broadcast %mul3A_79 : f32 to vector<1024x512xf32>
    %mul3A_81 = arith.mulf %add3A_75, %mul3A_80 : vector<1024x512xf32>
    %erf3A = math.erf %mul3A_81 : vector<1024x512xf32>
    %add3A_82 = arith.constant 1.000000e+00 : f32
    %add3A_83 = vector.broadcast %add3A_82 : f32 to vector<1024x512xf32>
    %add3A_84 = arith.addf %add3A_83, %erf3A : vector<1024x512xf32>
    %mul3A_85 = arith.mulf %mul3A_78, %add3A_84 : vector<1024x512xf32>
    %get3A_86 = arith.constant 0 : index
    %get3A_87 = arith.constant 0 : index
    %get3A_88 = vector.load %arg10[%get3A_86, %get3A_87] : memref<512x128xf32, #tpu.memory_space<vmem>>, vector<512x128xf32>
    %dot_general3A_89 = arith.constant dense<0.000000e+00> : vector<1024x128xf32>
    %dot_general3A_90 = tpu.matmul %mul3A_85, %get3A_88, %dot_general3A_89 {dimension_numbers = #tpu.dot_dimension_numbers<[1], [0], [0], [1], [0, 0, 1, 1], [], []>, transpose_lhs_hint = false} : vector<1024x512xf32>, vector<512x128xf32>, vector<1024x128xf32> -> vector<1024x128xf32>
    %get3A_91 = arith.constant 0 : index
    %get3A_92 = arith.constant 0 : index
    %get3A_93 = vector.load %arg11[%get3A_91, %get3A_92] : memref<1x128xf32, #tpu.memory_space<vmem>>, vector<1x128xf32>
    %add3A_94 = vector.broadcast %get3A_93 : vector<1x128xf32> to vector<1024x128xf32>
    %add3A_95 = arith.addf %dot_general3A_90, %add3A_94 : vector<1024x128xf32>
    %add3A_96 = arith.addf %add3A_65, %add3A_95 : vector<1024x128xf32>
    %get3A_97 = arith.constant 0 : index
    %get3A_98 = arith.constant 0 : index
    %get3A_99 = vector.load %arg6[%get3A_97, %get3A_98] : memref<1x128xf32, #tpu.memory_space<vmem>>, vector<1x128xf32>
    %get3A_100 = arith.constant 0 : index
    %get3A_101 = arith.constant 0 : index
    %get3A_102 = vector.load %arg7[%get3A_100, %get3A_101] : memref<1x128xf32, #tpu.memory_space<vmem>>, vector<1x128xf32>
    %reduce_sum3A_103 = arith.constant dense<0.000000e+00> : vector<1024xf32>
    %reduce_sum3A_104 = vector.multi_reduction <add>, %add3A_96, %reduce_sum3A_103 [1] : vector<1024x128xf32> to vector<1024xf32>
    %broadcast_in_dim3A_105 = vector.shape_cast %reduce_sum3A_104 : vector<1024xf32> to vector<1024x1xf32>
    %div3A_106 = arith.constant 1.280000e+02 : f32
    %div3A_107 = vector.broadcast %div3A_106 : f32 to vector<1024x1xf32>
    %div3A_108 = arith.divf %broadcast_in_dim3A_105, %div3A_107 : vector<1024x1xf32>
    %sub3A_109 = vector.broadcast %div3A_108 : vector<1024x1xf32> to vector<1024x128xf32>
    %sub3A_110 = arith.subf %add3A_96, %sub3A_109 : vector<1024x128xf32>
    %integer_pow3A_111 = arith.mulf %sub3A_110, %sub3A_110 : vector<1024x128xf32>
    %reduce_sum3A_112 = arith.constant dense<0.000000e+00> : vector<1024xf32>
    %reduce_sum3A_113 = vector.multi_reduction <add>, %integer_pow3A_111, %reduce_sum3A_112 [1] : vector<1024x128xf32> to vector<1024xf32>
    %broadcast_in_dim3A_114 = vector.shape_cast %reduce_sum3A_113 : vector<1024xf32> to vector<1024x1xf32>
    %div3A_115 = arith.constant 1.280000e+02 : f32
    %div3A_116 = vector.broadcast %div3A_115 : f32 to vector<1024x1xf32>
    %div3A_117 = arith.divf %broadcast_in_dim3A_114, %div3A_116 : vector<1024x1xf32>
    %sub3A_118 = vector.broadcast %div3A_108 : vector<1024x1xf32> to vector<1024x128xf32>
    %sub3A_119 = arith.subf %add3A_96, %sub3A_118 : vector<1024x128xf32>
    %add3A_120 = arith.constant 9.99999974E-6 : f32
    %add3A_121 = vector.broadcast %add3A_120 : f32 to vector<1024x1xf32>
    %add3A_122 = arith.addf %div3A_117, %add3A_121 : vector<1024x1xf32>
    %rsqrt3A_123 = math.rsqrt %add3A_122 : vector<1024x1xf32>
    %mul3A_124 = vector.broadcast %rsqrt3A_123 : vector<1024x1xf32> to vector<1024x128xf32>
    %mul3A_125 = arith.mulf %sub3A_119, %mul3A_124 : vector<1024x128xf32>
    %mul3A_126 = vector.broadcast %get3A_99 : vector<1x128xf32> to vector<1024x128xf32>
    %mul3A_127 = arith.mulf %mul3A_125, %mul3A_126 : vector<1024x128xf32>
    %add3A_128 = vector.broadcast %get3A_102 : vector<1x128xf32> to vector<1024x128xf32>
    %add3A_129 = arith.addf %mul3A_127, %add3A_128 : vector<1024x128xf32>
    %add3A_130 = arith.addf %add3A_129, %get3A_1 : vector<1024x128xf32>
    %swap3A = arith.constant 0 : index
    %swap3A_131 = arith.constant 0 : index
    %swap3A_132 = vector.load %arg12[%swap3A, %swap3A_131] : memref<1024x128xf32, #tpu.memory_space<vmem>>, vector<1024x128xf32>
    tpu.vector_store %arg12[%swap3A, %swap3A_131], %add3A_130 {strides = array<i32>} : memref<1024x128xf32, #tpu.memory_space<vmem>>, vector<1024x128xf32>,
    return
  }
  func.func @transform_0(%arg0: i32) -> (i32, i32) {
    %c0_i32 = arith.constant 0 : i32
    %c0_i32_0 = arith.constant 0 : i32
    return %arg0, %c0_i32 : i32, i32
  }
  func.func @transform_1(%arg0: i32) -> (i32, i32, i32) {
    %c0_i32 = arith.constant 0 : i32
    %c0_i32_0 = arith.constant 0 : i32
    %c0_i32_1 = arith.constant 0 : i32
    return %c0_i32, %arg0, %c0_i32_0 : i32, i32, i32
  }
  func.func @transform_2(%arg0: i32) -> (i32, i32, i32) {
    %c0_i32 = arith.constant 0 : i32
    %c0_i32_0 = arith.constant 0 : i32
    %c0_i32_1 = arith.constant 0 : i32
    return %c0_i32, %arg0, %c0_i32_0 : i32, i32, i32
  }
  func.func @transform_3(%arg0: i32) -> (i32, i32) {
    %c0_i32 = arith.constant 0 : i32
    %c0_i32_0 = arith.constant 0 : i32
    %c0_i32_1 = arith.constant 0 : i32
    return %c0_i32, %c0_i32_0 : i32, i32
  }
  func.func @transform_4(%arg0: i32) -> (i32, i32) {
    %c0_i32 = arith.constant 0 : i32
    %c0_i32_0 = arith.constant 0 : i32
    %c0_i32_1 = arith.constant 0 : i32
    return %c0_i32, %c0_i32_0 : i32, i32
  }
  func.func @transform_5(%arg0: i32) -> (i32, i32) {
    %c0_i32 = arith.constant 0 : i32
    %c0_i32_0 = arith.constant 0 : i32
    %c0_i32_1 = arith.constant 0 : i32
    return %c0_i32, %c0_i32_0 : i32, i32
  }
  func.func @transform_6(%arg0: i32) -> (i32, i32) {
    %c0_i32 = arith.constant 0 : i32
    %c0_i32_0 = arith.constant 0 : i32
    %c0_i32_1 = arith.constant 0 : i32
    return %c0_i32, %c0_i32_0 : i32, i32
  }
  func.func @transform_7(%arg0: i32) -> (i32, i32) {
    %c0_i32 = arith.constant 0 : i32
    %c0_i32_0 = arith.constant 0 : i32
    %c0_i32_1 = arith.constant 0 : i32
    return %c0_i32, %c0_i32_0 : i32, i32
  }
  func.func @transform_8(%arg0: i32) -> (i32, i32) {
    %c0_i32 = arith.constant 0 : i32
    %c0_i32_0 = arith.constant 0 : i32
    %c0_i32_1 = arith.constant 0 : i32
    return %c0_i32, %c0_i32_0 : i32, i32
  }
  func.func @transform_9(%arg0: i32) -> (i32, i32) {
    %c0_i32 = arith.constant 0 : i32
    %c0_i32_0 = arith.constant 0 : i32
    %c0_i32_1 = arith.constant 0 : i32
    return %c0_i32, %c0_i32_0 : i32, i32
  }
  func.func @transform_10(%arg0: i32) -> (i32, i32) {
    %c0_i32 = arith.constant 0 : i32
    %c0_i32_0 = arith.constant 0 : i32
    %c0_i32_1 = arith.constant 0 : i32
    return %c0_i32, %c0_i32_0 : i32, i32
  }
  func.func @transform_11(%arg0: i32) -> (i32, i32) {
    %c0_i32 = arith.constant 0 : i32
    %c0_i32_0 = arith.constant 0 : i32
    return %arg0, %c0_i32 : i32, i32
  }
}

</mosaic_0001>

<sc_bundles>
// kernel: kernel.6.cloned.1.call-start
scs
__scs_entry_jumppad:
0x0: {  	(pc) =	sbr.rel $0x88, $3  }
0x1: {  	(tag) =	ssettag $0x0;
	lr =	simm.s32 $0x1  }
0x2: {  	[smem:$0x3F95] =	sst lr;
	_ =	strace $0xD0000000  }
0x3: {  	_ = 	snop  }
0x4: {  	_ = 	snop  }
0x5: {  	_ = 	snop  }
0x6: {  	_ = 	snop  }
0x7: {  	_ = 	snop  }
__scs_overlays_trampoline_lowered:
0x8: {  	[smem:$0x3FA4] =	sst s0  }
0x9: {  	[smem:$0x3FA5] =	sst s1  }
0xa: {  	[smem:$0x3FA6] =	sst s2  }
0xb: {  	[smem:$0x3FA7] =	sst s3  }
0xc: {  	[smem:$0x3FA8] =	sst s4  }
0xd: {  	[smem:$0x3FA9] =	sst s5  }
0xe: {  	[smem:$0x3FAA] =	sst s6  }
0xf: {  	[smem:$0x3FAB] =	sst s7  }
0x10: {  	[smem:$0x3FAC] =	sst s8  }
0x11: {  	[smem:$0x3FAD] =	sst s9;
	s0 =	simm.s32 @!p0 $0x0  }
0x12: {  	s1 =	sld [smem:$0x3F93];
	s0 =	simm.s32 @p0 $0x1  }
0x13: {  	[smem:$0x3FAE] =	sst s0;
	s0 =	simm.s32 @!p1 $0x0  }
0x14: {  	s2 =	sld [smem:$0x3F92];
	s0 =	simm.s32 @p1 $0x1  }
0x15: {  	[smem:$0x3FAF] =	sst s0;
	s0 =	simm.s32 @!p2 $0x0  }
0x16: {  	s3 =	sld [smem:$0x3FDB];
	s0 =	simm.s32 @p2 $0x1  }
0x17: {  	s4 =	simm.s32 $0x1BF5;
	[smem:$0x3FB1] =	sst s0  }
0x18: {  	s0 =	sld [smem:$0x3F94];
	_ =	swait.ge [sflag:s4], $0x0  }
0x19: {  	s7 =	sld [smem:$0x3F95]  }
0x1a: {  	s8 =	sadd.s32 $0xFFFFE003, lr  }
0x1b: {  	s9 =	sadd.s32 $0xFFFFFEF7, lr;
	s5 =	simm.s32 $0xFFFFFFFF;
	p2 =	slt.u32 s8, $0xFFFFF086  }
0x1c: {  	p1 =	slt.u32 s9, $0xF7A;
	s5 =	simm.s32 @!p2 $0x0  }
0x1d: {  	s5 =	simm.s32 @p1 $0x1;
	p0 =	seq.s32 s7, s2  }
0x1e: {  	s7 =	smul.u32 @!p0 $0xF7A, s2;
	p2 =	seq.s32 @!p0 s5, $0x0  }
0x1f: {  	s9 =	smul.u32 $0xF7A, s1;
	s8 =	simm.s32 @!p0 $0x1BF5;
	p2 =	por !p2, p0  }
0x20: {  	[sflag:s8] =	ssyncset.s32 @!p0 $0xFFFFF086;
	s6 =	sadd.s32 @!p0 s3, s7;
	s7 =	simm.s32 @!p0 $0x108  }
0x21: {  	s3 =	sadd.s32 s3, s9;
	s6 =	sadd.s32 @!p0 $0x88, s6;
	s7 =	simm.s32 @p2 $0x1082  }
0x22: {  	[simem:s7], [sflag:s8] =	dma.local @!p0 [hbm:s6], $0xF7A  }
0x23: {  	s9 =	sor.u32 $0xD0000000, s2;
	s6 =	simm.s32 $0x108;
	_ =	swait.ge @!p0 [sflag:s8], $0x0  }
0x24: {  	s3 =	sadd.s32 $0x88, s3;
	s6 =	simm.s32 @!p1 $0x1082;
	[sflag:s4] =	ssyncset.s32 $0xFFFFF086  }
0x25: {  	[simem:s6], [sflag:s4] =	dma.local [hbm:s3], $0xF7A  }
0x26: {  	[smem:$0x3F95] =	sst s1;
	(tag) =	ssettag s2;
	_ =	strace s9  }
0x27: {  	s1 =	sld [smem:$0x3FA5]  }
0x28: {  	s2 =	sld [smem:$0x3FA6]  }
0x29: {  	s4 =	sld [smem:$0x3FA8]  }
0x2a: {  	p0 =	seq.s32 s5, $0x0;
	s5 =	sld [smem:$0x3FA9]  }
0x2b: {  	s6 =	sld [smem:$0x3FAA]  }
0x2c: {  	s7 =	sld [smem:$0x3FAB]  }
0x2d: {  	s3 =	simm.s32 $0x108;
	s8 =	sld [smem:$0x3FAC]  }
0x2e: {  	s3 =	simm.s32 @!p0 $0x1082;
	s9 =	sld [smem:$0x3FAD]  }
0x2f: {  	lr =	sadd.s32 s0, s3;
	s0 =	sld [smem:$0x3FA4]  }
0x30: {  	s3 =	sld [smem:$0x3FA7]  }
0x31: {  	[smem:$0x3FB0] =	sst s10  }
0x32: {  	s10 =	sld [smem:$0x3FAE];
	_ =	sdelay $0x3  }
0x33: {  	p0 =	seq.s32 s10, $0x1;
	s10 =	sld [smem:$0x3FB0];
	_ =	sdelay $0x3  }
0x34: {  	[smem:$0x3FB0] =	sst s10  }
0x35: {  	s10 =	sld [smem:$0x3FAF];
	_ =	sdelay $0x3  }
0x36: {  	p1 =	seq.s32 s10, $0x1;
	s10 =	sld [smem:$0x3FB0];
	_ =	sdelay $0x3  }
0x37: {  	[smem:$0x3FB0] =	sst s10  }
0x38: {  	s10 =	sld [smem:$0x3FB1]  }
0x39: {  	_ = 	snop;
	(pc) =	sbr.ind lr, $3  }
0x3a: {  	_ = 	snop  }
0x3b: {  	_ = 	snop  }
0x3c: {  	p2 =	seq.s32 s10, $0x1;
	s10 =	sld [smem:$0x3FB0]  }
0x3d: {  	_ =	shalt  }
0x3e: {  	_ =	shalt  }
0x3f: {  	_ =	shalt  }
0x40: {  	_ =	shalt  }
0x41: {  	_ =	shalt  }
0x42: {  	_ =	shalt  }
0x43: {  	_ =	shalt  }
0x44: {  	_ =	shalt  }
0x45: {  	_ =	shalt  }
0x46: {  	_ =	shalt  }
0x47: {  	_ =	shalt  }
0x48: {  	_ =	shalt  }
0x49: {  	_ =	shalt  }
0x4a: {  	_ =	shalt  }
0x4b: {  	_ =	shalt  }
0x4c: {  	_ =	shalt  }
0x4d: {  	_ =	shalt  }
0x4e: {  	_ =	shalt  }
0x4f: {  	_ =	shalt  }
0x50: {  	_ =	shalt  }
0x51: {  	_ =	shalt  }
0x52: {  	_ =	shalt  }
0x53: {  	_ =	shalt  }
0x54: {  	_ =	shalt  }
0x55: {  	_ =	shalt  }
0x56: {  	_ =	shalt  }
0x57: {  	_ =	shalt  }
0x58: {  	_ =	shalt  }
0x59: {  	_ =	shalt  }
0x5a: {  	_ =	shalt  }
0x5b: {  	_ =	shalt  }
0x5c: {  	_ =	shalt  }
0x5d: {  	_ =	shalt  }
0x5e: {  	_ =	shalt  }
0x5f: {  	_ =	shalt  }
0x60: {  	_ =	shalt  }
0x61: {  	_ =	shalt  }
0x62: {  	_ =	shalt  }
0x63: {  	_ =	shalt  }
0x64: {  	_ =	shalt  }
0x65: {  	_ =	shalt  }
0x66: {  	_ =	shalt  }
0x67: {  	_ =	shalt  }
0x68: {  	_ =	shalt  }
0x69: {  	_ =	shalt  }
0x6a: {  	_ =	shalt  }
0x6b: {  	_ =	shalt  }
0x6c: {  	_ =	shalt  }
0x6d: {  	_ =	shalt  }
0x6e: {  	_ =	shalt  }
0x6f: {  	_ =	shalt  }
0x70: {  	_ =	shalt  }
0x71: {  	_ =	shalt  }
0x72: {  	_ =	shalt  }
0x73: {  	_ =	shalt  }
0x74: {  	_ =	shalt  }
0x75: {  	_ =	shalt  }
0x76: {  	_ =	shalt  }
0x77: {  	_ =	shalt  }
0x78: {  	_ =	shalt  }
0x79: {  	_ =	shalt  }
0x7a: {  	_ =	shalt  }
0x7b: {  	_ =	shalt  }
0x7c: {  	_ =	shalt  }
0x7d: {  	_ =	shalt  }
0x7e: {  	_ =	shalt  }
0x7f: {  	_ =	shalt  }
0x80: {  	_ =	shalt  }
0x81: {  	_ =	shalt  }
0x82: {  	_ =	shalt  }
0x83: {  	_ =	shalt  }
0x84: {  	_ =	shalt  }
0x85: {  	_ =	shalt  }
0x86: {  	_ =	shalt  }
0x87: {  	_ =	shalt  }
.Lfunc_end0:
.L_simem_size_0:
called_computation_lowered:
.L_overlay_start_0:
0x88: {  	s2 =	sld [smem:$0x3FD9]  }
0x89: {  	s3 =	sld [smem:$0x3FFE];
	_ =	sdelay $0x1  }
0x8a: {  	s1 =	srdreg.scid  }
0x8b: {  	s0 =	sand.u32 $0x1, s1  }
0x8c: {  	s17 =	sshll.u32 s0, $0xA;
	s2 =	sadd.s32 s3, s2  }
0x8d: {  	s2 =	sadd.s32 s2, s17  }
0x8e: {  	[smem:$0x3FBC] =	sst s2  }
0x8f: {  	_ = 	snop  }
0x90: {  	s2 =	sld [smem:$0x3FD0];
	(tm) =	ssettm $0x1  }
0x91: {  	s18 =	sld [smem:$0x3FFB];
	_ =	sdelay $0x3  }
0x92: {  	_ =	strace s18  }
0x93: {  	s3 =	sld [smem:$0x3FFC];
	_ =	sdelay $0x3  }
0x94: {  	_ =	strace s3  }
0x95: {  	s3 =	sld [smem:$0x3FFD];
	_ =	sdelay $0x3  }
0x96: {  	_ =	strace s3  }
0x97: {  	_ =	strace $0x8FFFFFFF  }
0x98: {  	s19 =	sld [smem:$0x3FDB];
	_ =	sdelay $0x1  }
0x99: {  	s4 =	simm.s32 $_scs_section_size  }
0x9a: {  	s5 =	simm.s32 $_size__tile_overlayer_lowered;
	s6 =	simm.s32 $_tile_overlayer_lowered  }
0x9b: {  	s22 =	simm.s32 $0x1BFF;
	s21 =	sshll.u32 s6, $0x1;
	s3 =	sadd.s32 s4, s19  }
0x9c: {  	s7 =	simm.s32 $0x0;
	s20 =	sshll.u32 s5, $0x1;
	s5 =	sadd.s32 s21, s3  }
0x9d: {  	[timem:s7], [sflag:s22] =	dma.local [hbm:s5], s20  }
0x9e: {  	_ =	swait.ge [sflag:s22], s20  }
0x9f: {  	s4 =	ssub.s32 $0x0, s20;
	[sflag:s22] =	ssyncset.done $0x0  }
0xa0: {  	[sflag:s22] =	ssyncadd.s32 s4;
	_ =	sdelay $0x1  }
0xa1: {  	s23 =	simm.s32 $0x1B8B  }
0xa2: {  	_ =	swait.ge [sflag:s23], $0x1  }
0xa3: {  	[sflag:s23] =	ssyncset.done $0x0  }
0xa4: {  	s25 =	simm.s32 $0x1B8E;
	s24 =	sld [smem:$0x3FFE];
	[sflag:s23] =	ssyncadd.s32 $0xFFFFFFFF  }
0xa5: {  	s26 =	simm.s32 $execute0_lowered;
	[smem:$0x3FD2] =	sst s25  }
0xa6: {  	s5 =	sshll.u32 s26, $0x1;
	_ =	strace $0x80000046;
	[dreg:$0x1] =	wrdreg $0xFFFFFFFF  }
0xa7: {  	s28 =	simm.s32 $_size_execute0_lowered;
	s3 =	sadd.s32 s3, s5;
	[dreg:$0x0] =	wrdreg $0x0  }
0xa8: {  	s5 =	sshll.u32 s28, $0x1;
	[dreg:$0x2] =	wrdreg s3  }
0xa9: {  	[dreg:$0x3] =	wrdreg s5  }
0xaa: {  	[dreg:$0x4] =	wrdreg $0xC0  }
0xab: {  	_ =	task [dreg:s7], $0x5FFFF  }
0xac: {  	[dreg:$0x1] =	wrdreg $0xFFFFFFFF  }
0xad: {  	[dreg:$0x0] =	wrdreg $0x60  }
0xae: {  	[dreg:$0x2] =	wrdreg s2  }
0xaf: {  	[dreg:$0x3] =	wrdreg s24  }
0xb0: {  	[dreg:$0x4] =	wrdreg $0x16A800  }
0xb1: {  	[dreg:$0x5] =	wrdreg $0x9  }
0xb2: {  	_ =	task.clear_ibuf [dreg:s7], $0x6FFFF;
	_ =	strace $0x90000046  }
0xb3: {  	s29 =	simm.s32 $0x9;
	_ =	strace $0x80000048  }
0xb4: {  	_ =	swait.ge [sflag:s29], $0x1  }
0xb5: {  	[sflag:s29] =	ssyncadd.s32 $0xFFFFFFFF  }
0xb6: {  	_ =	strace $0x90000048  }
0xb7: {  	_ =	sfence  }
0xb8: {  	s30 =	sld [smem:$0x0];
	_ =	sdelay $0x2  }
0xb9: {  	s31 =	sshll.u32 s1, $0xD;
	s1 =	sshrl.u32 s1, $0x2  }
0xba: {  	s3 =	sand.u32 $0x4000, s31;
	s1 =	sadd.s32 s1, s30  }
0xbb: {  	s0 =	sor.u32 s3, s0;
	s1 =	sshll.u32 s1, $0x11  }
0xbc: {  	s0 =	sor.u32 s1, s0  }
0xbd: {  	s0 =	sadd.s32 $0x8F2B, s0  }
0xbe: {  	[sflag:s0] =	ssyncadd.remote.s32 $0x1  }
0xbf: {  	_ =	sfence.sel $0xFFFF  }
0xc0: {  	[dreg:$0x0] =	wrdreg $0xFFFFFFFF;
	(pc) =	sbr.abs _section_cstart, $3  }
0xc1: {  	[dreg:$0x1] =	wrdreg $0xFFFFFFFF  }
0xc2: {  	_ =	task.clear_ibuf [dreg:s7], $0x2FFFF;
	_ =	strace $0x9FFFFFFF  }
0xc3: {  	(tm) =	ssettm $0x7FFFFFFF  }
tec
execute0_lowered:
.L_overlay_start_1:
0x0: {  	(tag) =	ssettag $0x1  }
0x1: {  	s1 =	rddreg [dreg:$0x0]  }
0x2: {  	s0 =	rddreg [dreg:$0x1]  }
0x3: {  	s2 =	rddreg [dreg:$0x2];
	s4 =	simm.s32 $0x0  }
0x4: {  	s3 =	stileid.u32;
	s9 =	srdreg.scid;
	s19 =	simm.s32 $0x14000  }
0x5: {  	s20 =	simm.s32 $0x14480;
	s21 =	simm.s32 $0x14900;
	s22 =	simm.s32 $0x1020  }
0x6: {  	s23 =	simm.s32 $0x15980;
	s24 =	simm.s32 $0x20;
	s25 =	simm.s32 $0x10  }
0x7: {  	s26 =	simm.s32 $0x0;
	[smem:$0x7FF] =	sst s4;
	s5 =	sadd.s32 $0x2CA00, s0  }
0x8: {  	s6 =	sadd.s32 $0x2A000, s0;
	s11 =	smul.u32 $0xA00, s3;
	s7 =	sadd.s32 $0x2B400, s0  }
0x9: {  	s8 =	sadd.s32 $0x2C800, s0;
	s12 =	sand.u32 $0x1, s9;
	s13 =	smul.u32 $0x1400, s3  }
0xa: {  	s9 =	sadd.s32 $0x3A800, s0;
	s15 =	sshll.u32 s3, $0x1;
	s31 =	sshll.u32 s3, $0x6  }
0xb: {  	_ =	strace $0x80000047;
	s29 =	sshll.u32 s12, $0x7;
	s30 =	ssub.s32 $0x2, s12  }
0xc: {  	s12 =	sor.u32 s12, s15;
	s15 =	simm.s32 $0xA000;
	s17 =	sor.u32 $0x1C01, s31  }
0xd: {  	s10 =	sshrl.u32 s11, $0x3;
	s16 =	sshrl.u32 s30, $0x1;
	s18 =	sadd.s32 s11, s2  }
0xe: {  	s14 =	sadd.s32 s10, s0;
	s10 =	sor.u32 s29, s13;
	s13 =	ssub.s32 s30, s16  }
0xf: {  	s16 =	simm.s32 $0x16A00;
	s18 =	sshrl.u32 s18, $0x3;
	s10 =	sshrl.u32 s10, $0x3  }
0x10: {  	v1 =	vlaneseq.u32;
	s11 =	sadd.s32 $0x36C00, s14;
	s13 =	smax.u32 s13, $0x1;
	s0 =	sadd.s32 s10, s0  }
0x11: {  	v0 =	vshrl.u32 v1, $0x2;
	v1 =	vand.u32 $0x3, v1;
	s14 =	simm.s32 $0x1;
	s10 =	smul.u32 $0x2850, s12;
	s12 =	sadd.s32 $0x38000, s0  }
.LBB2_1:
0x12: {  	[tilespmem:s4], [sflag:$0x1] =	stream.linear.gather [hbm4b:s6+s4], $0xA000, $0x38;
	[tilespmem:$0x17480] =	vst v63  }
0x13: {  	_ =	swait.ge [sflag:s14], $0xA000  }
0x14: {  	[sflag:s14] =	ssyncset.done $0x0  }
0x15: {  	[sflag:s14] =	ssyncadd.s32 $0xFFFF6000  }
0x16: {  	[tilespmem:s15], [sflag:$0x1] =	stream.linear.gather [hbm4b:s7+s4], $0xA000, $0x38;
	[tilespmem:$0x17480] =	vst v63  }
0x17: {  	_ =	swait.ge [sflag:s14], $0xA000  }
0x18: {  	[sflag:s14] =	ssyncset.done $0x0  }
0x19: {  	[sflag:s14] =	ssyncadd.s32 $0xFFFF6000  }
0x1a: {  	[tilespmem:s16], [sflag:$0x1] =	stream.linear.gather [hbm4b:s8+s4], $0x80, $0x38;
	[tilespmem:$0x17480] =	vst v63  }
0x1b: {  	_ =	swait.ge [sflag:s14], $0x80  }
0x1c: {  	[sflag:s14] =	ssyncset.done $0x0  }
0x1d: {  	[sflag:s14] =	ssyncadd.s32 $0xFFFFFF80  }
0x1e: {  	[spmem:s18], [sflag:s17] =	dma.local [hbm:s11], $0x140  }
0x1f: {  	_ =	swait.ge [sflag:s14], $0x140  }
0x20: {  	[sflag:s14] =	ssyncset.done $0x0  }
0x21: {  	[sflag:s14] =	ssyncadd.s32 $0xFFFFFEC0  }
0x22: {  	[bflag:$0x0] =	sbarrier.arrive $0xFFFF  }
0x23: {  	s28 =	simm.s32 $0x0;
	v2 =	vld [tilespmem:$0x16A00]  }
.LBB2_2:
0x24: {  	s0 =	smul.u32 $0x408, s28;
	_ =	sdelay $0x1  }
0x25: {  	s29 =	sadd.s32 s10, s0  }
0x26: {  	s0 =	sshrl.u32 s29, $0x3  }
0x27: {  	s31 =	simm.s32 $0x0;
	s30 =	sadd.s32 s1, s0  }
0x28: {  	[tilespmem:s19], [sflag:$0x1] =	stream.linear.gather [hbm4b:s30+s31], $0x408, $0x38;
	[tilespmem:$0x17480] =	vst v63  }
0x29: {  	_ =	swait.ge [sflag:s14], $0x408  }
0x2a: {  	[sflag:s14] =	ssyncset.done $0x0  }
0x2b: {  	v3 =	vor.u32 s31, v0;
	s0 =	sadd.s32 s5, s0;
	[sflag:s14] =	ssyncadd.s32 $0xFFFFFBF8  }
0x2c: {  	[tilespmem:s20], [sflag:$0x1] =	stream.linear.gather [hbm4b:s0+s31], $0x408, $0x38;
	[tilespmem:$0x17480] =	vst v63  }
0x2d: {  	_ =	swait.ge [sflag:s14], $0x408  }
0x2e: {  	[sflag:s14] =	ssyncset.done $0x0  }
0x2f: {  	[sflag:s14] =	ssyncadd.s32 $0xFFFFFBF8  }
0x30: {  	v4 =	vld.idx.msk [tilespmem:v3+s20+$0x0], $0xffff  }
0x31: {  	v3 =	vld.idx.msk [tilespmem:v3+s19+$0x0], $0xffff;
	_ =	sdelay $0x3  }
0x32: {  	v4 =	vshll.u32 v4, $0x2  }
0x33: {  	v3 =	vshll.u32 v3, $0x2;
	v4 =	vor.u32 v1, v4  }
0x34: {  	v3 =	vor.u32 v1, v3;
	_ =	sdelay $0x3  }
0x35: {  	v5 =	vld.idx.msk [tilespmem:v4+s15+$0x0], $0xffff  }
0x36: {  	v3 =	vld.idx.msk [tilespmem:v3+s4+$0x0], $0xffff;
	_ =	sdelay $0x4  }
0x37: {  	v3 =	vadd.f32 v5, v3;
	_ =	sdelay $0x1  }
0x38: {  	v5 =	vmin.f32 v3, $0.0e+00  }
0x39: {  	v5 =	vmul.f32 $2.000000030e-01, v5  }
0x3a: {  	v3 =	vmax.f32 v3, $0.0e+00  }
0x3b: {  	v3 =	vadd.f32 v5, v3;
	_ =	sdelay $0x1  }
0x3c: {  	v3 =	vsub.f32 v3, v2;
	_ =	sdelay $0x1  }
0x3d: {  	v3 =	vmul.f32 $1.442695020e+00, v3;
	_ =	sdelay $0x1  }
0x3e: {  	(erf) = vpow2.f32 v3;
	_ =	sdelay $0x5  }
0x3f: {  	s0 =	simm.s32 $0x4  }
0x40: {  	v3 =	vor.u32 s0, v0;
	_ =	sdelay $0x1  }
0x41: {  	s0 =	simm.s32 $0x14900;
	v5 =	vpop (erf)  }
0x42: {  	s30 =	simm.s32 $0x15980;
	[tilespmem:s0+$0x0] =	vst v5  }
0x43: {  	[tilespmem:s30+$0x0] =	vst v4  }
0x44: {  	v4 =	vld.idx.msk [tilespmem:v3+s20+$0x0], $0xffff  }
0x45: {  	v3 =	vld.idx.msk [tilespmem:v3+s19+$0x0], $0xffff;
	_ =	sdelay $0x3  }
0x46: {  	v4 =	vshll.u32 v4, $0x2  }
0x47: {  	v5 =	vshll.u32 v3, $0x2;
	v3 =	vor.u32 v1, v4  }
0x48: {  	v4 =	vor.u32 v1, v5;
	_ =	sdelay $0x3  }
0x49: {  	v5 =	vld.idx.msk [tilespmem:v3+s15+$0x0], $0xffff  }
0x4a: {  	v4 =	vld.idx.msk [tilespmem:v4+s4+$0x0], $0xffff;
	_ =	sdelay $0x4  }
0x4b: {  	v4 =	vadd.f32 v5, v4;
	_ =	sdelay $0x1  }
0x4c: {  	v5 =	vmin.f32 v4, $0.0e+00  }
0x4d: {  	v5 =	vmul.f32 $2.000000030e-01, v5  }
0x4e: {  	v4 =	vmax.f32 v4, $0.0e+00  }
0x4f: {  	v4 =	vadd.f32 v5, v4;
	_ =	sdelay $0x1  }
0x50: {  	v4 =	vsub.f32 v4, v2;
	_ =	sdelay $0x1  }
0x51: {  	v4 =	vmul.f32 $1.442695020e+00, v4;
	_ =	sdelay $0x1  }
0x52: {  	(erf) = vpow2.f32 v4;
	_ =	sdelay $0x5  }
0x53: {  	s0 =	simm.s32 $0x8  }
0x54: {  	v4 =	vor.u32 s0, v0;
	_ =	sdelay $0x1  }
0x55: {  	s31 =	simm.s32 $0x14910;
	s0 =	simm.s32 $0xC;
	v5 =	vpop (erf)  }
.LBB2_3:
0x56: {  	p0 =	sne.s32 s0, $0x404;
	[tilespmem:s31+$0x0] =	vst v5;
	s30 =	sadd.s32 $0x10, s30  }
0x57: {  	[tilespmem:s30+$0x0] =	vst v3  }
0x58: {  	v3 =	vld.idx.msk [tilespmem:v4+s20+$0x0], $0xffff  }
0x59: {  	v4 =	vld.idx.msk [tilespmem:v4+s19+$0x0], $0xffff;
	_ =	sdelay $0x4  }
0x5a: {  	v3 =	vshll.u32 v3, $0x2  }
0x5b: {  	v4 =	vshll.u32 v4, $0x2;
	v3 =	vor.u32 v1, v3  }
0x5c: {  	v4 =	vor.u32 v1, v4;
	_ =	sdelay $0x3  }
0x5d: {  	v5 =	vld.idx.msk [tilespmem:v3+s15+$0x0], $0xffff  }
0x5e: {  	v4 =	vld.idx.msk [tilespmem:v4+s4+$0x0], $0xffff;
	_ =	sdelay $0x5  }
0x5f: {  	v4 =	vadd.f32 v5, v4;
	_ =	sdelay $0x1  }
0x60: {  	v5 =	vmin.f32 v4, $0.0e+00  }
0x61: {  	v5 =	vmul.f32 $2.000000030e-01, v5  }
0x62: {  	v4 =	vmax.f32 v4, $0.0e+00  }
0x63: {  	v4 =	vadd.f32 v5, v4;
	_ =	sdelay $0x1  }
0x64: {  	v4 =	vsub.f32 v4, v2;
	_ =	sdelay $0x1  }
0x65: {  	v4 =	vmul.f32 $1.442695020e+00, v4;
	_ =	sdelay $0x1  }
0x66: {  	(erf) = vpow2.f32 v4;
	_ =	sdelay $0x4  }
.Ltmp0:
0x67: {  	(pc) =	sbr.rel @p0 .LBB2_3-.Ltmp0, $3  }
0x68: {  	_ = 	snop  }
0x69: {  	v4 =	vor.u32 s0, v0;
	_ =	sdelay $0x1  }
0x6a: {  	s31 =	sadd.s32 $0x10, s31;
	s0 =	sadd.s32 $0x4, s0;
	v5 =	vpop (erf)  }
0x6b: {  	_ =	sdelay $0x1  }
0x6c: {  	[tilespmem:s31+$0x0] =	vst v5;
	s0 =	sadd.s32 $0x10, s30  }
0x6d: {  	[tilespmem:s0+$0x0] =	vst v3  }
0x6e: {  	v3 =	vld.idx.msk [tilespmem:v4+s20+$0x0], $0xffff  }
0x6f: {  	v63 =	vld.idx.msk [tilespmem:v4+s19+$0x0], $0xffff;
	_ =	sdelay $0x3  }
0x70: {  	v3 =	vshll.u32 v3, $0x2  }
0x71: {  	v4 =	vshll.u32 v63, $0x2;
	v3 =	vor.u32 v1, v3  }
0x72: {  	v4 =	vor.u32 v1, v4;
	_ =	sdelay $0x3  }
0x73: {  	v5 =	vld.idx.msk [tilespmem:v3+s15+$0x0], $0xffff  }
0x74: {  	v4 =	vld.idx.msk [tilespmem:v4+s4+$0x0], $0xffff;
	_ =	sdelay $0x4  }
0x75: {  	v4 =	vadd.f32 v5, v4;
	_ =	sdelay $0x1  }
0x76: {  	v5 =	vmin.f32 v4, $0.0e+00  }
0x77: {  	v5 =	vmul.f32 $2.000000030e-01, v5  }
0x78: {  	v4 =	vmax.f32 v4, $0.0e+00  }
0x79: {  	v4 =	vadd.f32 v5, v4;
	_ =	sdelay $0x1  }
0x7a: {  	v4 =	vsub.f32 v4, v2;
	_ =	sdelay $0x1  }
0x7b: {  	v4 =	vmul.f32 $1.442695020e+00, v4;
	_ =	sdelay $0x1  }
0x7c: {  	(erf) = vpow2.f32 v4;
	_ =	sdelay $0x8  }
0x7d: {  	s31 =	sadd.s32 $0x10, s31;
	v4 =	vpop (erf)  }
0x7e: {  	s29 =	sshrl.u32 s29, $0x1;
	s0 =	sadd.s32 $0x10, s0;
	[tilespmem:s31+$0x0] =	vst v4  }
0x7f: {  	s31 =	sadd.s32 s9, s29;
	[tilespmem:s0+$0x0] =	vst v3  }
0x80: {  	[hbm4b:s31+s4] =	stream.linear.scatter [tilespmem:s21], [sflag:$0x1], $0x1020, $0x38;
	[tilespmem:$0x17480] =	vst v63  }
0x81: {  	s28 =	sadd.s32 $0x1, s28;
	_ =	swait.ge [sflag:s14], $0x1020  }
0x82: {  	p0 =	sne.s32 s28, $0xA;
	[sflag:s14] =	ssyncset.done $0x0  }
.Ltmp1:
0x83: {  	[sflag:s14] =	ssyncadd.s32 $0xFFFFEFE0;
	(pc) =	sbr.rel @p0 .LBB2_2-.Ltmp1, $4  }
0x84: {  	[spmem:s2] =	stream.indirect.scatter.add.f32 [tilespmem:s21], [sflag:$0x1], $0x1, s23, s22, $0xb8;
	[tilespmem:$0x17480] =	vst v63  }
0x85: {  	_ =	swait.ge [sflag:s14], $0x1020  }
0x86: {  	[sflag:s14] =	ssyncset.done $0x0  }
0x87: {  	[sflag:s14] =	ssyncadd.s32 $0xFFFFEFE0  }
0x88: {  	s26 =	sadd.s32 $0x1, s26  }
0x89: {  	p0 =	sne.s32 s26, s13  }
.Ltmp2:
0x8a: {  	[bflag:$0x0] =	sbarrier.arrive $0xFFFF;
	(pc) =	sbr.rel @p0 .LBB2_1-.Ltmp2, $4  }
0x8b: {  	[hbm:s12@s24], [sflag:s17] =	dma.strided [spmem:s18@s25], $0x140, s14, $0x10   }
0x8c: {  	_ =	swait.ge [sflag:s14], $0x140  }
0x8d: {  	[sflag:s14] =	ssyncset.done $0x0  }
0x8e: {  	[sflag:s14] =	ssyncadd.s32 $0xFFFFFEC0  }
0x8f: {  	_ =	sfence.sel $0x180000  }
0x90: {  	[bflag:$0x0] =	sbarrier.arrive $0xFFFF  }
0x91: {  	_ =	strace $0x90000047  }
0x92: {  	[bflag:$0x2] =	sbarrier.arrive $0xFFFF  }
0x93: {  	p0 =	sne.s32 s3, $0x0;
	s0 =	rddreg [dreg:$0x3]  }
0x94: {  	s0 =	sadd.s32 @!p0 $0x100000, s0  }
0x95: {  	[sflag:s0] =	ssyncadd.tile.s32 @!p0 $0x1;
	_ =	shalt  }
.Lfunc_end2:
_tile_overlayer_lowered:
.L_overlay_start_2:
0x96: {  	(tag) =	ssettag $0x2  }
0x97: {  	s0 =	rddreg [dreg:$0x0];
	s2 =	stileid.u32  }
0x98: {  	s1 =	rddreg [dreg:$0x1];
	p0 =	sne.s32 s2, $0x0  }
0x99: {  	s3 =	rddreg [dreg:$0x2];
	[bflag:$0x3] =	sbarrier.arrive $0xFFFF;
	s2 =	simm.s32 @!p0 $0x1C01  }
0x9a: {  	[timem:s3], [sflag:s2] =	dma.local @!p0 [hbm:s0], s1  }
0x9b: {  	s0 =	simm.s32 @!p0 $0x1  }
0x9c: {  	_ =	swait.ge @!p0 [sflag:s0], s1  }
0x9d: {  	s1 =	ssub.s32 @!p0 $0x0, s1;
	[sflag:s0] =	ssyncset.done @!p0 $0x0  }
0x9e: {  	[sflag:s0] =	ssyncadd.s32 @!p0 s1  }
0x9f: {  	[bflag:$0x3] =	sbarrier.arrive $0xFFFF  }
0xa0: {  	_ =	shalt  }

// kernel: kernel.9.cloned.1.call-start
scs
__scs_entry_jumppad:
0x0: {  	(pc) =	sbr.rel $0x88, $3  }
0x1: {  	(tag) =	ssettag $0x0;
	lr =	simm.s32 $0x1  }
0x2: {  	[smem:$0x3F95] =	sst lr;
	_ =	strace $0xD0000000  }
0x3: {  	_ = 	snop  }
0x4: {  	_ = 	snop  }
0x5: {  	_ = 	snop  }
0x6: {  	_ = 	snop  }
0x7: {  	_ = 	snop  }
__scs_overlays_trampoline_lowered:
0x8: {  	[smem:$0x3FA4] =	sst s0  }
0x9: {  	[smem:$0x3FA5] =	sst s1  }
0xa: {  	[smem:$0x3FA6] =	sst s2  }
0xb: {  	[smem:$0x3FA7] =	sst s3  }
0xc: {  	[smem:$0x3FA8] =	sst s4  }
0xd: {  	[smem:$0x3FA9] =	sst s5  }
0xe: {  	[smem:$0x3FAA] =	sst s6  }
0xf: {  	[smem:$0x3FAB] =	sst s7  }
0x10: {  	[smem:$0x3FAC] =	sst s8  }
0x11: {  	[smem:$0x3FAD] =	sst s9;
	s0 =	simm.s32 @!p0 $0x0  }
0x12: {  	s1 =	sld [smem:$0x3F93];
	s0 =	simm.s32 @p0 $0x1  }
0x13: {  	[smem:$0x3FAE] =	sst s0;
	s0 =	simm.s32 @!p1 $0x0  }
0x14: {  	s2 =	sld [smem:$0x3F92];
	s0 =	simm.s32 @p1 $0x1  }
0x15: {  	[smem:$0x3FAF] =	sst s0;
	s0 =	simm.s32 @!p2 $0x0  }
0x16: {  	s3 =	sld [smem:$0x3FDB];
	s0 =	simm.s32 @p2 $0x1  }
0x17: {  	s4 =	simm.s32 $0x1BF5;
	[smem:$0x3FB1] =	sst s0  }
0x18: {  	s0 =	sld [smem:$0x3F94];
	_ =	swait.ge [sflag:s4], $0x0  }
0x19: {  	s7 =	sld [smem:$0x3F95]  }
0x1a: {  	s8 =	sadd.s32 $0xFFFFE003, lr  }
0x1b: {  	s9 =	sadd.s32 $0xFFFFFEF7, lr;
	s5 =	simm.s32 $0xFFFFFFFF;
	p2 =	slt.u32 s8, $0xFFFFF086  }
0x1c: {  	p1 =	slt.u32 s9, $0xF7A;
	s5 =	simm.s32 @!p2 $0x0  }
0x1d: {  	s5 =	simm.s32 @p1 $0x1;
	p0 =	seq.s32 s7, s2  }
0x1e: {  	s7 =	smul.u32 @!p0 $0xF7A, s2;
	p2 =	seq.s32 @!p0 s5, $0x0  }
0x1f: {  	s9 =	smul.u32 $0xF7A, s1;
	s8 =	simm.s32 @!p0 $0x1BF5;
	p2 =	por !p2, p0  }
0x20: {  	[sflag:s8] =	ssyncset.s32 @!p0 $0xFFFFF086;
	s6 =	sadd.s32 @!p0 s3, s7;
	s7 =	simm.s32 @!p0 $0x108  }
0x21: {  	s3 =	sadd.s32 s3, s9;
	s6 =	sadd.s32 @!p0 $0x88, s6;
	s7 =	simm.s32 @p2 $0x1082  }
0x22: {  	[simem:s7], [sflag:s8] =	dma.local @!p0 [hbm:s6], $0xF7A  }
0x23: {  	s9 =	sor.u32 $0xD0000000, s2;
	s6 =	simm.s32 $0x108;
	_ =	swait.ge @!p0 [sflag:s8], $0x0  }
0x24: {  	s3 =	sadd.s32 $0x88, s3;
	s6 =	simm.s32 @!p1 $0x1082;
	[sflag:s4] =	ssyncset.s32 $0xFFFFF086  }
0x25: {  	[simem:s6], [sflag:s4] =	dma.local [hbm:s3], $0xF7A  }
0x26: {  	[smem:$0x3F95] =	sst s1;
	(tag) =	ssettag s2;
	_ =	strace s9  }
0x27: {  	s1 =	sld [smem:$0x3FA5]  }
0x28: {  	s2 =	sld [smem:$0x3FA6]  }
0x29: {  	s4 =	sld [smem:$0x3FA8]  }
0x2a: {  	p0 =	seq.s32 s5, $0x0;
	s5 =	sld [smem:$0x3FA9]  }
0x2b: {  	s6 =	sld [smem:$0x3FAA]  }
0x2c: {  	s7 =	sld [smem:$0x3FAB]  }
0x2d: {  	s3 =	simm.s32 $0x108;
	s8 =	sld [smem:$0x3FAC]  }
0x2e: {  	s3 =	simm.s32 @!p0 $0x1082;
	s9 =	sld [smem:$0x3FAD]  }
0x2f: {  	lr =	sadd.s32 s0, s3;
	s0 =	sld [smem:$0x3FA4]  }
0x30: {  	s3 =	sld [smem:$0x3FA7]  }
0x31: {  	[smem:$0x3FB0] =	sst s10  }
0x32: {  	s10 =	sld [smem:$0x3FAE];
	_ =	sdelay $0x3  }
0x33: {  	p0 =	seq.s32 s10, $0x1;
	s10 =	sld [smem:$0x3FB0];
	_ =	sdelay $0x3  }
0x34: {  	[smem:$0x3FB0] =	sst s10  }
0x35: {  	s10 =	sld [smem:$0x3FAF];
	_ =	sdelay $0x3  }
0x36: {  	p1 =	seq.s32 s10, $0x1;
	s10 =	sld [smem:$0x3FB0];
	_ =	sdelay $0x3  }
0x37: {  	[smem:$0x3FB0] =	sst s10  }
0x38: {  	s10 =	sld [smem:$0x3FB1]  }
0x39: {  	_ = 	snop;
	(pc) =	sbr.ind lr, $3  }
0x3a: {  	_ = 	snop  }
0x3b: {  	_ = 	snop  }
0x3c: {  	p2 =	seq.s32 s10, $0x1;
	s10 =	sld [smem:$0x3FB0]  }
0x3d: {  	_ =	shalt  }
0x3e: {  	_ =	shalt  }
0x3f: {  	_ =	shalt  }
0x40: {  	_ =	shalt  }
0x41: {  	_ =	shalt  }
0x42: {  	_ =	shalt  }
0x43: {  	_ =	shalt  }
0x44: {  	_ =	shalt  }
0x45: {  	_ =	shalt  }
0x46: {  	_ =	shalt  }
0x47: {  	_ =	shalt  }
0x48: {  	_ =	shalt  }
0x49: {  	_ =	shalt  }
0x4a: {  	_ =	shalt  }
0x4b: {  	_ =	shalt  }
0x4c: {  	_ =	shalt  }
0x4d: {  	_ =	shalt  }
0x4e: {  	_ =	shalt  }
0x4f: {  	_ =	shalt  }
0x50: {  	_ =	shalt  }
0x51: {  	_ =	shalt  }
0x52: {  	_ =	shalt  }
0x53: {  	_ =	shalt  }
0x54: {  	_ =	shalt  }
0x55: {  	_ =	shalt  }
0x56: {  	_ =	shalt  }
0x57: {  	_ =	shalt  }
0x58: {  	_ =	shalt  }
0x59: {  	_ =	shalt  }
0x5a: {  	_ =	shalt  }
0x5b: {  	_ =	shalt  }
0x5c: {  	_ =	shalt  }
0x5d: {  	_ =	shalt  }
0x5e: {  	_ =	shalt  }
0x5f: {  	_ =	shalt  }
0x60: {  	_ =	shalt  }
0x61: {  	_ =	shalt  }
0x62: {  	_ =	shalt  }
0x63: {  	_ =	shalt  }
0x64: {  	_ =	shalt  }
0x65: {  	_ =	shalt  }
0x66: {  	_ =	shalt  }
0x67: {  	_ =	shalt  }
0x68: {  	_ =	shalt  }
0x69: {  	_ =	shalt  }
0x6a: {  	_ =	shalt  }
0x6b: {  	_ =	shalt  }
0x6c: {  	_ =	shalt  }
0x6d: {  	_ =	shalt  }
0x6e: {  	_ =	shalt  }
0x6f: {  	_ =	shalt  }
0x70: {  	_ =	shalt  }
0x71: {  	_ =	shalt  }
0x72: {  	_ =	shalt  }
0x73: {  	_ =	shalt  }
0x74: {  	_ =	shalt  }
0x75: {  	_ =	shalt  }
0x76: {  	_ =	shalt  }
0x77: {  	_ =	shalt  }
0x78: {  	_ =	shalt  }
0x79: {  	_ =	shalt  }
0x7a: {  	_ =	shalt  }
0x7b: {  	_ =	shalt  }
0x7c: {  	_ =	shalt  }
0x7d: {  	_ =	shalt  }
0x7e: {  	_ =	shalt  }
0x7f: {  	_ =	shalt  }
0x80: {  	_ =	shalt  }
0x81: {  	_ =	shalt  }
0x82: {  	_ =	shalt  }
0x83: {  	_ =	shalt  }
0x84: {  	_ =	shalt  }
0x85: {  	_ =	shalt  }
0x86: {  	_ =	shalt  }
0x87: {  	_ =	shalt  }
.Lfunc_end0:
.L_simem_size_0:
called_computation.1_lowered:
.L_overlay_start_0:
0x88: {  	s2 =	sld [smem:$0x3FD9]  }
0x89: {  	s3 =	sld [smem:$0x3FFE];
	_ =	sdelay $0x1  }
0x8a: {  	s1 =	srdreg.scid  }
0x8b: {  	s0 =	sand.u32 $0x1, s1  }
0x8c: {  	s17 =	sshll.u32 s0, $0xA;
	s2 =	sadd.s32 s3, s2  }
0x8d: {  	s2 =	sadd.s32 s2, s17  }
0x8e: {  	[smem:$0x3FBC] =	sst s2  }
0x8f: {  	_ = 	snop  }
0x90: {  	s2 =	sld [smem:$0x3FD0];
	(tm) =	ssettm $0x1  }
0x91: {  	s18 =	sld [smem:$0x3FFB];
	_ =	sdelay $0x3  }
0x92: {  	_ =	strace s18  }
0x93: {  	s3 =	sld [smem:$0x3FFC];
	_ =	sdelay $0x3  }
0x94: {  	_ =	strace s3  }
0x95: {  	s3 =	sld [smem:$0x3FFD];
	_ =	sdelay $0x3  }
0x96: {  	_ =	strace s3  }
0x97: {  	_ =	strace $0x8FFFFFFF  }
0x98: {  	s19 =	sld [smem:$0x3FDB];
	_ =	sdelay $0x1  }
0x99: {  	s4 =	simm.s32 $_scs_section_size  }
0x9a: {  	s5 =	simm.s32 $_size__tile_overlayer_lowered;
	s6 =	simm.s32 $_tile_overlayer_lowered  }
0x9b: {  	s22 =	simm.s32 $0x1BFF;
	s21 =	sshll.u32 s6, $0x1;
	s3 =	sadd.s32 s4, s19  }
0x9c: {  	s7 =	simm.s32 $0x0;
	s20 =	sshll.u32 s5, $0x1;
	s5 =	sadd.s32 s21, s3  }
0x9d: {  	[timem:s7], [sflag:s22] =	dma.local [hbm:s5], s20  }
0x9e: {  	_ =	swait.ge [sflag:s22], s20  }
0x9f: {  	s4 =	ssub.s32 $0x0, s20;
	[sflag:s22] =	ssyncset.done $0x0  }
0xa0: {  	[sflag:s22] =	ssyncadd.s32 s4;
	_ =	sdelay $0x1  }
0xa1: {  	s23 =	simm.s32 $0x1B8B  }
0xa2: {  	_ =	swait.ge [sflag:s23], $0x1  }
0xa3: {  	[sflag:s23] =	ssyncset.done $0x0  }
0xa4: {  	s25 =	simm.s32 $0x1B8E;
	s24 =	sld [smem:$0x3FFE];
	[sflag:s23] =	ssyncadd.s32 $0xFFFFFFFF  }
0xa5: {  	s26 =	simm.s32 $execute0_lowered;
	[smem:$0x3FD2] =	sst s25  }
0xa6: {  	s5 =	sshll.u32 s26, $0x1;
	_ =	strace $0x80000049;
	[dreg:$0x1] =	wrdreg $0xFFFFFFFF  }
0xa7: {  	s28 =	simm.s32 $_size_execute0_lowered;
	s3 =	sadd.s32 s3, s5;
	[dreg:$0x0] =	wrdreg $0x0  }
0xa8: {  	s5 =	sshll.u32 s28, $0x1;
	[dreg:$0x2] =	wrdreg s3  }
0xa9: {  	[dreg:$0x3] =	wrdreg s5  }
0xaa: {  	[dreg:$0x4] =	wrdreg $0xC0  }
0xab: {  	_ =	task [dreg:s7], $0x5FFFF  }
0xac: {  	[dreg:$0x1] =	wrdreg $0xFFFFFFFF  }
0xad: {  	[dreg:$0x0] =	wrdreg $0x60  }
0xae: {  	[dreg:$0x2] =	wrdreg s2  }
0xaf: {  	[dreg:$0x3] =	wrdreg s24  }
0xb0: {  	[dreg:$0x4] =	wrdreg $0x7E000  }
0xb1: {  	[dreg:$0x5] =	wrdreg $0x9  }
0xb2: {  	_ =	task.clear_ibuf [dreg:s7], $0x6FFFF;
	_ =	strace $0x90000049  }
0xb3: {  	s29 =	simm.s32 $0x9;
	_ =	strace $0x8000004B  }
0xb4: {  	_ =	swait.ge [sflag:s29], $0x1  }
0xb5: {  	[sflag:s29] =	ssyncadd.s32 $0xFFFFFFFF  }
0xb6: {  	_ =	strace $0x9000004B  }
0xb7: {  	_ =	sfence  }
0xb8: {  	s30 =	sld [smem:$0x0];
	_ =	sdelay $0x2  }
0xb9: {  	s31 =	sshll.u32 s1, $0xD;
	s1 =	sshrl.u32 s1, $0x2  }
0xba: {  	s3 =	sand.u32 $0x4000, s31;
	s1 =	sadd.s32 s1, s30  }
0xbb: {  	s0 =	sor.u32 s3, s0;
	s1 =	sshll.u32 s1, $0x11  }
0xbc: {  	s0 =	sor.u32 s1, s0  }
0xbd: {  	s0 =	sadd.s32 $0x8F2B, s0  }
0xbe: {  	[sflag:s0] =	ssyncadd.remote.s32 $0x1  }
0xbf: {  	_ =	sfence.sel $0xFFFF  }
0xc0: {  	[dreg:$0x0] =	wrdreg $0xFFFFFFFF;
	(pc) =	sbr.abs _section_cstart, $3  }
0xc1: {  	[dreg:$0x1] =	wrdreg $0xFFFFFFFF  }
0xc2: {  	_ =	task.clear_ibuf [dreg:s7], $0x2FFFF;
	_ =	strace $0x9FFFFFFF  }
0xc3: {  	(tm) =	ssettm $0x7FFFFFFF  }
tec
execute0_lowered:
.L_overlay_start_1:
0x0: {  	(tag) =	ssettag $0x1  }
0x1: {  	s2 =	rddreg [dreg:$0x0]  }
0x2: {  	s0 =	rddreg [dreg:$0x1]  }
0x3: {  	s3 =	rddreg [dreg:$0x2];
	s15 =	stileid.u32  }
0x4: {  	s1 =	srdreg.scid;
	s4 =	simm.s32 $0x0;
	s28 =	simm.s32 $0x2  }
0x5: {  	s29 =	simm.s32 $0x0;
	s8 =	smul.u32 $0x14000, s15;
	s1 =	sand.u32 $0x1, s1  }
0x6: {  	[smem:$0x7FF] =	sst s4;
	s5 =	sadd.s32 $0x2CA00, s0;
	s12 =	smul.u32 $0x50000, s15  }
0x7: {  	s6 =	sadd.s32 $0x2000, s0;
	s7 =	sadd.s32 $0x3A800, s0;
	s18 =	smul.u32 $0x50A0, s15  }
0x8: {  	s14 =	sshll.u32 s15, $0x1;
	s20 =	sshll.u32 s15, $0x6;
	s9 =	smul.u32 $0x140000, s1  }
0x9: {  	_ =	strace $0x8000004A;
	s11 =	ssub.s32 $0x2, s1;
	s10 =	sshrl.u32 s8, $0x3  }
0xa: {  	s16 =	sshrl.u32 s11, $0x1;
	s17 =	sshrl.u32 s12, $0x2;
	s8 =	sadd.s32 s8, s9  }
0xb: {  	s31 =	sadd.s32 s10, s0;
	s10 =	sor.u32 s1, s14;
	s14 =	ssub.s32 s11, s16  }
0xc: {  	s17 =	sadd.s32 s17, s3;
	s1 =	smul.u32 $0x2850, s1;
	s9 =	sor.u32 $0x1C03, s20  }
0xd: {  	s8 =	sshrl.u32 s8, $0x3;
	s13 =	smul.u32 $0x2850, s10;
	s19 =	sadd.s32 $0x62E00, s31  }
0xe: {  	s22 =	smul.u32 $0x1428, s10;
	s14 =	smax.u32 s14, $0x1;
	s17 =	sshrl.u32 s17, $0x3  }
0xf: {  	s31 =	simm.s32 $0x7C00;
	s0 =	sadd.s32 s8, s0;
	[dreg:$0x7] =	wrdreg s19  }
0x10: {  	s1 =	sadd.s32 s1, s18;
	s19 =	simm.s32 $0x80;
	[dreg:$0x6] =	wrdreg s31  }
0x11: {  	s21 =	sshrl.u32 s13, $0x3;
	s25 =	sadd.s32 s7, s22;
	s16 =	sadd.s32 $0x78, s1  }
0x12: {  	s13 =	sadd.s32 $0x8AE00, s0;
	s15 =	sadd.s32 $0xF0, s1;
	s22 =	simm.s32 $0x100  }
0x13: {  	s23 =	sadd.s32 s2, s21;
	s24 =	sadd.s32 s5, s21;
	[dreg:$0xa] =	wrdreg s25  }
0x14: {  	s26 =	sshrl.u32 s16, $0x3;
	s30 =	sshrl.u32 s16, $0x1;
	[dreg:$0x8] =	wrdreg s23  }
0x15: {  	s21 =	simm.s32 $0x78;
	s25 =	simm.s32 $0x4000;
	[dreg:$0x9] =	wrdreg s24  }
0x16: {  	s18 =	sadd.s32 s26, s5;
	s16 =	sadd.s32 s30, s7;
	s0 =	sadd.s32 s26, s2  }
0x17: {  	s23 =	simm.s32 $0x3F00;
	s24 =	simm.s32 $0x3F80;
	[dreg:$0x4] =	wrdreg s18  }
0x18: {  	s26 =	simm.s32 $0x1;
	[dreg:$0x5] =	wrdreg s0;
	s18 =	simm.s32 $0x3  }
.LBB2_1:
0x19: {  	s0 =	rddreg [dreg:$0x7]  }
0x1a: {  	[spmem:s17], [sflag:s9] =	dma.local [hbm:s0], $0x2800  }
0x1b: {  	_ =	swait.ge [sflag:s18], $0x2800  }
0x1c: {  	[sflag:s18] =	ssyncset.done $0x0  }
0x1d: {  	[sflag:s18] =	ssyncadd.s32 $0xFFFFD800  }
0x1e: {  	[bflag:$0x0] =	sbarrier.arrive $0xFFFF  }
0x1f: {  	s1 =	rddreg [dreg:$0x8]  }
0x20: {  	[tilespmem:s4], [sflag:$0x3] =	stream.linear.gather [hbm4b:s1+s4], $0x78, $0x38;
	[tilespmem:$0x1BE00] =	vst v63  }
0x21: {  	_ =	swait.ge [sflag:s18], $0x78  }
0x22: {  	[sflag:s18] =	ssyncset.done $0x0  }
0x23: {  	s8 =	rddreg [dreg:$0x9];
	[sflag:s18] =	ssyncadd.s32 $0xFFFFFF88  }
0x24: {  	[tilespmem:s19], [sflag:$0x3] =	stream.linear.gather [hbm4b:s8+s4], $0x78, $0x38;
	[tilespmem:$0x1BE00] =	vst v63  }
0x25: {  	_ =	swait.ge [sflag:s18], $0x78  }
0x26: {  	[sflag:s18] =	ssyncset.done $0x0  }
0x27: {  	s1 =	simm.s32 $0x3D00;
	s10 =	rddreg [dreg:$0xa];
	[sflag:s18] =	ssyncadd.s32 $0xFFFFFF88  }
0x28: {  	[tilespmem:s1], [sflag:$0x3] =	stream.linear.gather [hbm4b:s10+s4], $0x1E0, $0x38;
	[tilespmem:$0x1BE00] =	vst v63  }
0x29: {  	_ =	swait.ge [sflag:s18], $0x1E0  }
0x2a: {  	[sflag:s18] =	ssyncset.done $0x0  }
0x2b: {  	s11 =	rddreg [dreg:$0x5];
	[sflag:s18] =	ssyncadd.s32 $0xFFFFFE20  }
0x2c: {  	[tilespmem:s22], [sflag:$0x1] =	stream.indirect.gather [hbm4b:s6+s21], $0x80, s4, s21, $0xb8;
	[tilespmem:$0x1BE00] =	vst v63  }
0x2d: {  	s0 =	sadd.s32 $0x0, s11  }
0x2e: {  	[tilespmem:s23], [sflag:$0x3] =	stream.linear.gather [hbm4b:s0+s4], $0x78, $0x38;
	[tilespmem:$0x1BE00] =	vst v63  }
0x2f: {  	_ =	swait.ge [sflag:s18], $0x78  }
0x30: {  	s12 =	rddreg [dreg:$0x4];
	[sflag:s18] =	ssyncset.done $0x0  }
0x31: {  	[sflag:s18] =	ssyncadd.s32 $0xFFFFFF88;
	s0 =	sadd.s32 $0x0, s12  }
0x32: {  	[tilespmem:s24], [sflag:$0x3] =	stream.linear.gather [hbm4b:s0+s4], $0x78, $0x38;
	[tilespmem:$0x1BE00] =	vst v63  }
0x33: {  	_ =	swait.ge [sflag:s18], $0x78  }
0x34: {  	[sflag:s18] =	ssyncset.done $0x0  }
0x35: {  	s20 =	rddreg [dreg:$0x6];
	[sflag:s18] =	ssyncadd.s32 $0xFFFFFF88  }
0x36: {  	[tilespmem:s20], [sflag:$0x3] =	stream.linear.gather [hbm4b:s16+s4], $0x1E0, $0x38;
	[tilespmem:$0x1BE00] =	vst v63  }
0x37: {  	_ =	swait.ge [sflag:s18], $0x1E0  }
0x38: {  	[sflag:s18] =	ssyncset.done $0x0  }
0x39: {  	[sflag:s18] =	ssyncadd.s32 $0xFFFFFE20  }
0x3a: {  	[tilespmem:s25], [sflag:$0x2] =	stream.indirect.gather [hbm4b:s6+s21], $0x80, s23, s21, $0xb8;
	[tilespmem:$0x1BE00] =	vst v63  }
0x3b: {  	_ =	swait.ge [sflag:s26], $0x3C00  }
0x3c: {  	[sflag:s26] =	ssyncset.done $0x0  }
0x3d: {  	[sflag:s26] =	ssyncadd.s32 $0xFFFFC400  }
0x3e: {  	[spmem:s3] =	stream.indirect.scatter.add.f32 [tilespmem:s22], [sflag:$0x3], $0x80, s19, s21, $0xb8;
	[tilespmem:$0x1BE00] =	vst v63  }
0x3f: {  	p0 =	por $0x0, $0x0;
	_ =	swait.ge [sflag:s18], $0x3C00  }
0x40: {  	s30 =	simm.s32 @!p0 $0x0;
	s0 =	sshrl.u32 @!p0 s15, $0x3;
	[sflag:s18] =	ssyncset.done $0x0  }
0x41: {  	s1 =	simm.s32 @!p0 $0x3;
	s20 =	sadd.s32 @!p0 s2, s0;
	[sflag:s18] =	ssyncadd.s32 $0xFFFFC400  }
0x42: {  	[tilespmem:s30], [sflag:$0x3] =	stream.linear.gather @!p0 [hbm4b:s20+s30], $0x78, $0x38;
	[tilespmem:$0x1BE00] =	vst v63  }
0x43: {  	_ =	swait.ge @!p0 [sflag:s1], $0x78  }
0x44: {  	[sflag:s1] =	ssyncset.done @!p0 $0x0  }
0x45: {  	s0 =	sadd.s32 @!p0 s5, s0;
	s20 =	simm.s32 @!p0 $0x80;
	[sflag:s1] =	ssyncadd.s32 @!p0 $0xFFFFFF88  }
0x46: {  	[tilespmem:s20], [sflag:$0x3] =	stream.linear.gather @!p0 [hbm4b:s0+s30], $0x78, $0x38;
	[tilespmem:$0x1BE00] =	vst v63  }
0x47: {  	s0 =	sshrl.u32 @!p0 s15, $0x1;
	_ =	swait.ge @!p0 [sflag:s1], $0x78  }
0x48: {  	s0 =	sand.u32 @!p0 $0x1FFFFFF8, s0;
	[sflag:s1] =	ssyncset.done @!p0 $0x0  }
0x49: {  	s20 =	simm.s32 @!p0 $0x3D00;
	s0 =	sadd.s32 @!p0 s7, s0;
	[sflag:s1] =	ssyncadd.s32 @!p0 $0xFFFFFF88  }
0x4a: {  	[tilespmem:s20], [sflag:$0x3] =	stream.linear.gather @!p0 [hbm4b:s0+s30], $0x1E0, $0x38;
	[tilespmem:$0x1BE00] =	vst v63  }
0x4b: {  	_ =	swait.ge @!p0 [sflag:s1], $0x1E0  }
0x4c: {  	[sflag:s1] =	ssyncset.done @!p0 $0x0  }
0x4d: {  	s0 =	simm.s32 @!p0 $0x78;
	[sflag:s1] =	ssyncadd.s32 @!p0 $0xFFFFFE20;
	s1 =	simm.s32 @!p0 $0x100  }
0x4e: {  	[tilespmem:s1], [sflag:$0x1] =	stream.indirect.gather @!p0 [hbm4b:s6+s0], $0x80, s30, s0, $0xb8;
	[tilespmem:$0x1BE00] =	vst v63  }
0x4f: {  	_ =	swait.ge [sflag:s28], $0x3C00  }
0x50: {  	[sflag:s28] =	ssyncset.done $0x0  }
0x51: {  	s31 =	smov.u32 s15;
	[sflag:s28] =	ssyncadd.s32 $0xFFFFC400  }
0x52: {  	[spmem:s3] =	stream.indirect.scatter.add.f32 [tilespmem:s25], [sflag:$0x3], $0x80, s24, s21, $0xb8;
	[tilespmem:$0x1BE00] =	vst v63  }
0x53: {  	s30 =	simm.s32 $0x1E;
	s1 =	simm.s32 $0x3C;
	_ =	swait.ge [sflag:s18], $0x3C00  }
0x54: {  	s0 =	sadd.s32 $0x78, s16;
	s20 =	rddreg [dreg:$0x5];
	[sflag:s18] =	ssyncset.done $0x0  }
.LBB2_2:
0x55: {  	[sflag:s18] =	ssyncadd.s32 $0xFFFFC400;
	s20 =	sadd.s32 s30, s20  }
0x56: {  	[tilespmem:s23], [sflag:$0x3] =	stream.linear.gather [hbm4b:s20+s4], $0x78, $0x38;
	[tilespmem:$0x1BE00] =	vst v63  }
0x57: {  	_ =	swait.ge [sflag:s18], $0x78  }
0x58: {  	s11 =	rddreg [dreg:$0x4];
	[sflag:s18] =	ssyncset.done $0x0  }
0x59: {  	[sflag:s18] =	ssyncadd.s32 $0xFFFFFF88;
	s20 =	sadd.s32 s30, s11  }
0x5a: {  	[tilespmem:s24], [sflag:$0x3] =	stream.linear.gather [hbm4b:s20+s4], $0x78, $0x38;
	[tilespmem:$0x1BE00] =	vst v63  }
0x5b: {  	_ =	swait.ge [sflag:s18], $0x78  }
0x5c: {  	[sflag:s18] =	ssyncset.done $0x0  }
0x5d: {  	s12 =	rddreg [dreg:$0x6];
	[sflag:s18] =	ssyncadd.s32 $0xFFFFFF88  }
0x5e: {  	[tilespmem:s12], [sflag:$0x3] =	stream.linear.gather [hbm4b:s0+s4], $0x1E0, $0x38;
	[tilespmem:$0x1BE00] =	vst v63  }
0x5f: {  	_ =	swait.ge [sflag:s18], $0x1E0  }
0x60: {  	[sflag:s18] =	ssyncset.done $0x0  }
0x61: {  	[sflag:s18] =	ssyncadd.s32 $0xFFFFFE20  }
0x62: {  	[tilespmem:s25], [sflag:$0x2] =	stream.indirect.gather [hbm4b:s6+s21], $0x80, s23, s21, $0xb8;
	[tilespmem:$0x1BE00] =	vst v63  }
0x63: {  	_ =	swait.ge [sflag:s26], $0x3C00  }
0x64: {  	[sflag:s26] =	ssyncset.done $0x0  }
0x65: {  	s31 =	sadd.s32 $0xF0, s31;
	s8 =	smov.u32 s1;
	[sflag:s26] =	ssyncadd.s32 $0xFFFFC400  }
0x66: {  	[spmem:s3] =	stream.indirect.scatter.add.f32 [tilespmem:s22], [sflag:$0x3], $0x80, s19, s21, $0xb8;
	[tilespmem:$0x1BE00] =	vst v63  }
0x67: {  	p1 =	seq.s32 s30, $0x4EC;
	s30 =	smov.u32 s8;
	_ =	swait.ge [sflag:s18], $0x3C00  }
0x68: {  	s8 =	sshrl.u32 @!p1 s31, $0x3;
	s11 =	simm.s32 @!p1 $0x0;
	[sflag:s18] =	ssyncset.done $0x0  }
0x69: {  	s20 =	simm.s32 @!p1 $0x3;
	s10 =	sadd.s32 @!p1 s2, s8;
	[sflag:s18] =	ssyncadd.s32 $0xFFFFC400  }
0x6a: {  	[tilespmem:s11], [sflag:$0x3] =	stream.linear.gather @!p1 [hbm4b:s10+s11], $0x78, $0x38;
	[tilespmem:$0x1BE00] =	vst v63  }
0x6b: {  	_ =	swait.ge @!p1 [sflag:s20], $0x78  }
0x6c: {  	[sflag:s20] =	ssyncset.done @!p1 $0x0  }
0x6d: {  	s8 =	sadd.s32 @!p1 s5, s8;
	s12 =	simm.s32 @!p1 $0x80;
	[sflag:s20] =	ssyncadd.s32 @!p1 $0xFFFFFF88  }
0x6e: {  	[tilespmem:s12], [sflag:$0x3] =	stream.linear.gather @!p1 [hbm4b:s8+s11], $0x78, $0x38;
	[tilespmem:$0x1BE00] =	vst v63  }
0x6f: {  	s10 =	sshrl.u32 @!p1 s31, $0x1;
	_ =	swait.ge @!p1 [sflag:s20], $0x78  }
0x70: {  	s10 =	sand.u32 @!p1 $0x1FFFFFF8, s10;
	[sflag:s20] =	ssyncset.done @!p1 $0x0  }
0x71: {  	s10 =	sadd.s32 @!p1 s7, s10;
	s8 =	simm.s32 @!p1 $0x3D00;
	[sflag:s20] =	ssyncadd.s32 @!p1 $0xFFFFFF88  }
0x72: {  	[tilespmem:s8], [sflag:$0x3] =	stream.linear.gather @!p1 [hbm4b:s10+s11], $0x1E0, $0x38;
	[tilespmem:$0x1BE00] =	vst v63  }
0x73: {  	_ =	swait.ge @!p1 [sflag:s20], $0x1E0  }
0x74: {  	s1 =	sadd.s32 $0x1E, s1;
	[sflag:s20] =	ssyncset.done @!p1 $0x0  }
0x75: {  	s8 =	simm.s32 @!p1 $0x78;
	s10 =	simm.s32 @!p1 $0x100;
	[sflag:s20] =	ssyncadd.s32 @!p1 $0xFFFFFE20  }
0x76: {  	[tilespmem:s10], [sflag:$0x1] =	stream.indirect.gather @!p1 [hbm4b:s6+s8], $0x80, s11, s8, $0xb8;
	[tilespmem:$0x1BE00] =	vst v63  }
0x77: {  	p0 =	sne.s32 s1, $0x50A;
	_ =	swait.ge [sflag:s28], $0x3C00  }
.Ltmp0:
0x78: {  	[sflag:s28] =	ssyncset.done $0x0;
	(pc) =	sbr.rel @p0 .LBB2_2-.Ltmp0, $4  }
0x79: {  	[sflag:s28] =	ssyncadd.s32 $0xFFFFC400  }
0x7a: {  	[spmem:s3] =	stream.indirect.scatter.add.f32 [tilespmem:s25], [sflag:$0x3], $0x80, s24, s21, $0xb8;
	[tilespmem:$0x1BE00] =	vst v63  }
0x7b: {  	_ =	swait.ge [sflag:s18], $0x3C00  }
0x7c: {  	s0 =	sadd.s32 $0x78, s0;
	s20 =	rddreg [dreg:$0x5];
	[sflag:s18] =	ssyncset.done $0x0  }
0x7d: {  	[sflag:s18] =	ssyncadd.s32 $0xFFFFC400;
	s1 =	sadd.s32 s30, s20  }
0x7e: {  	[tilespmem:s23], [sflag:$0x3] =	stream.linear.gather [hbm4b:s1+s4], $0x78, $0x38;
	[tilespmem:$0x1BE00] =	vst v63  }
0x7f: {  	_ =	swait.ge [sflag:s18], $0x78  }
0x80: {  	s12 =	rddreg [dreg:$0x4];
	[sflag:s18] =	ssyncset.done $0x0  }
0x81: {  	[sflag:s18] =	ssyncadd.s32 $0xFFFFFF88;
	s1 =	sadd.s32 s30, s12  }
0x82: {  	[tilespmem:s24], [sflag:$0x3] =	stream.linear.gather [hbm4b:s1+s4], $0x78, $0x38;
	[tilespmem:$0x1BE00] =	vst v63  }
0x83: {  	_ =	swait.ge [sflag:s18], $0x78  }
0x84: {  	[sflag:s18] =	ssyncset.done $0x0  }
0x85: {  	s20 =	rddreg [dreg:$0x6];
	[sflag:s18] =	ssyncadd.s32 $0xFFFFFF88  }
0x86: {  	[tilespmem:s20], [sflag:$0x3] =	stream.linear.gather [hbm4b:s0+s4], $0x1E0, $0x38;
	[tilespmem:$0x1BE00] =	vst v63  }
0x87: {  	_ =	swait.ge [sflag:s18], $0x1E0  }
0x88: {  	[sflag:s18] =	ssyncset.done $0x0  }
0x89: {  	[sflag:s18] =	ssyncadd.s32 $0xFFFFFE20  }
0x8a: {  	[tilespmem:s25], [sflag:$0x2] =	stream.indirect.gather [hbm4b:s6+s21], $0x80, s23, s21, $0xb8;
	[tilespmem:$0x1BE00] =	vst v63  }
0x8b: {  	_ =	swait.ge [sflag:s26], $0x3C00  }
0x8c: {  	[sflag:s26] =	ssyncset.done $0x0  }
0x8d: {  	[sflag:s26] =	ssyncadd.s32 $0xFFFFC400  }
0x8e: {  	[spmem:s3] =	stream.indirect.scatter.add.f32 [tilespmem:s22], [sflag:$0x3], $0x80, s19, s21, $0xb8;
	[tilespmem:$0x1BE00] =	vst v63  }
0x8f: {  	p0 =	seq.s32 s30, $0x4EC;
	s0 =	sadd.s32 $0xF0, s31;
	_ =	swait.ge [sflag:s18], $0x3C00  }
0x90: {  	s8 =	simm.s32 @!p0 $0x3;
	s1 =	sshrl.u32 @!p0 s0, $0x3;
	[sflag:s18] =	ssyncset.done $0x0  }
0x91: {  	s11 =	simm.s32 @!p0 $0x0;
	s10 =	sadd.s32 @!p0 s2, s1;
	[sflag:s18] =	ssyncadd.s32 $0xFFFFC400  }
0x92: {  	[tilespmem:s11], [sflag:$0x3] =	stream.linear.gather @!p0 [hbm4b:s10+s11], $0x78, $0x38;
	[tilespmem:$0x1BE00] =	vst v63  }
0x93: {  	_ =	swait.ge @!p0 [sflag:s8], $0x78  }
0x94: {  	[sflag:s8] =	ssyncset.done @!p0 $0x0  }
0x95: {  	s1 =	sadd.s32 @!p0 s5, s1;
	s10 =	simm.s32 @!p0 $0x80;
	[sflag:s8] =	ssyncadd.s32 @!p0 $0xFFFFFF88  }
0x96: {  	[tilespmem:s10], [sflag:$0x3] =	stream.linear.gather @!p0 [hbm4b:s1+s11], $0x78, $0x38;
	[tilespmem:$0x1BE00] =	vst v63  }
0x97: {  	s0 =	sshrl.u32 @!p0 s0, $0x1;
	_ =	swait.ge @!p0 [sflag:s8], $0x78  }
0x98: {  	s0 =	sand.u32 @!p0 $0x1FFFFFF8, s0;
	[sflag:s8] =	ssyncset.done @!p0 $0x0  }
0x99: {  	s0 =	sadd.s32 @!p0 s7, s0;
	s1 =	simm.s32 @!p0 $0x3D00;
	[sflag:s8] =	ssyncadd.s32 @!p0 $0xFFFFFF88  }
0x9a: {  	[tilespmem:s1], [sflag:$0x3] =	stream.linear.gather @!p0 [hbm4b:s0+s11], $0x1E0, $0x38;
	[tilespmem:$0x1BE00] =	vst v63  }
0x9b: {  	_ =	swait.ge @!p0 [sflag:s8], $0x1E0  }
0x9c: {  	[sflag:s8] =	ssyncset.done @!p0 $0x0  }
0x9d: {  	s0 =	simm.s32 @!p0 $0x78;
	s1 =	simm.s32 @!p0 $0x100;
	[sflag:s8] =	ssyncadd.s32 @!p0 $0xFFFFFE20  }
0x9e: {  	[tilespmem:s1], [sflag:$0x1] =	stream.indirect.gather @!p0 [hbm4b:s6+s0], $0x80, s11, s0, $0xb8;
	[tilespmem:$0x1BE00] =	vst v63  }
0x9f: {  	_ =	swait.ge [sflag:s28], $0x3C00  }
0xa0: {  	[sflag:s28] =	ssyncset.done $0x0  }
0xa1: {  	[sflag:s28] =	ssyncadd.s32 $0xFFFFC400  }
0xa2: {  	[spmem:s3] =	stream.indirect.scatter.add.f32 [tilespmem:s25], [sflag:$0x3], $0x80, s24, s21, $0xb8;
	[tilespmem:$0x1BE00] =	vst v63  }
0xa3: {  	_ =	swait.ge [sflag:s18], $0x3C00  }
0xa4: {  	s29 =	sadd.s32 $0x1, s29;
	[sflag:s18] =	ssyncset.done $0x0  }
0xa5: {  	p0 =	sne.s32 s29, s14;
	[sflag:s18] =	ssyncadd.s32 $0xFFFFC400  }
.Ltmp1:
0xa6: {  	[bflag:$0x0] =	sbarrier.arrive $0xFFFF;
	(pc) =	sbr.rel @p0 .LBB2_1-.Ltmp1, $4  }
0xa7: {  	[hbm:s13], [sflag:s9] =	dma.local [spmem:s17], $0x2800  }
0xa8: {  	_ =	swait.ge [sflag:s18], $0x2800  }
0xa9: {  	[sflag:s18] =	ssyncset.done $0x0  }
0xaa: {  	[sflag:s18] =	ssyncadd.s32 $0xFFFFD800  }
0xab: {  	_ =	sfence.sel $0x180000  }
0xac: {  	[bflag:$0x0] =	sbarrier.arrive $0xFFFF  }
0xad: {  	_ =	strace $0x9000004A  }
0xae: {  	s0 =	stileid.u32;
	[bflag:$0x2] =	sbarrier.arrive $0xFFFF  }
0xaf: {  	p0 =	sne.s32 s0, $0x0;
	s0 =	rddreg [dreg:$0x3]  }
0xb0: {  	s0 =	sadd.s32 @!p0 $0x100000, s0  }
0xb1: {  	[sflag:s0] =	ssyncadd.tile.s32 @!p0 $0x1;
	_ =	shalt  }
.Lfunc_end2:
_tile_overlayer_lowered:
.L_overlay_start_2:
0xb2: {  	(tag) =	ssettag $0x2  }
0xb3: {  	s0 =	rddreg [dreg:$0x0];
	s2 =	stileid.u32  }
0xb4: {  	s1 =	rddreg [dreg:$0x1];
	p0 =	sne.s32 s2, $0x0  }
0xb5: {  	s3 =	rddreg [dreg:$0x2];
	[bflag:$0x3] =	sbarrier.arrive $0xFFFF;
	s2 =	simm.s32 @!p0 $0x1C03  }
0xb6: {  	[timem:s3], [sflag:s2] =	dma.local @!p0 [hbm:s0], s1  }
0xb7: {  	s0 =	simm.s32 @!p0 $0x3  }
0xb8: {  	_ =	swait.ge @!p0 [sflag:s0], s1  }
0xb9: {  	s1 =	ssub.s32 @!p0 $0x0, s1;
	[sflag:s0] =	ssyncset.done @!p0 $0x0  }
0xba: {  	[sflag:s0] =	ssyncadd.s32 @!p0 s1  }
0xbb: {  	[bflag:$0x3] =	sbarrier.arrive $0xFFFF  }
0xbc: {  	_ =	shalt  }

</sc_bundles>
